<compile_context>
chip_gen: v7x
topology: tpu7x:2x2x1
jax: 0.10.2.dev20260603
libtpu: 0.0.44.dev20260713+nightly
codegen_flags: <defaults>
</compile_context>

<pallas_src>
import functools

import jax
import jax.numpy as jnp
from jax import lax
from jax.experimental import pallas as pl
from jax.experimental.pallas import tpu as pltpu
from jax.experimental.pallas import tpu_sc as plsc


def _route_body(x_ref, wg_ref, bg_ref, slot_ref, te_ref, oe_ref, psum_ref,
                loss_ref, carry_ref, ke_ref, cb0_ref, tm_ref,
                carry2_ref, rank2_ref, off_ref, *, nexp, tb, cap, total, blk,
                nslot, ntile):
    i = pl.program_id(0)

    @pl.when(i == 0)
    def _():
        carry_ref[...] = jnp.zeros_like(carry_ref)
        psum_ref[...] = jnp.zeros_like(psum_ref)

    lane8 = jax.lax.broadcasted_iota(jnp.int32, (1, nexp), 1)
    rr = jax.lax.broadcasted_iota(jnp.int32, (nexp, nexp), 0)
    cc = jax.lax.broadcasted_iota(jnp.int32, (nexp, nexp), 1)
    u8 = (rr < cc).astype(jnp.float32)
    r2 = jax.lax.broadcasted_iota(jnp.int32, (tb, tb), 0)
    c2 = jax.lax.broadcasted_iota(jnp.int32, (tb, tb), 1)
    ltri = (r2 > c2).astype(jnp.float32)
    riota = jax.lax.broadcasted_iota(jnp.int32, (tb, 1), 0)

    @pl.when(i < 8)
    def _():
        x = x_ref[...]
        logits = jnp.dot(x, wg_ref[...], preferred_element_type=jnp.float32)
        logits = logits + bg_ref[...]
        m = jnp.max(logits, axis=-1, keepdims=True)
        p = jnp.exp(logits - m)
        probs = p / jnp.sum(p, axis=-1, keepdims=True)
        psum_ref[...] += jnp.sum(probs, axis=0, keepdims=True)

        is_max = (logits == m).astype(jnp.float32)
        prior = jnp.dot(is_max, u8, preferred_element_type=jnp.float32)
        onehot = is_max * (prior == 0).astype(jnp.float32)

        rank = jnp.dot(ltri, onehot, preferred_element_type=jnp.float32)
        rank = rank + carry_ref[...]
        kept = (onehot > 0.5) & (rank < float(cap))
        lane = jax.lax.broadcasted_iota(jnp.int32, (tb, nexp), 1)
        ke = jnp.max(jnp.where(kept, lane, -1), axis=-1, keepdims=True)
        carry_ref[...] += jnp.sum(onehot, axis=0, keepdims=True)

        for k in range(4):
            @pl.when(i == k)
            def _(k=k):
                ke_ref[:, k:k + 1] = ke

            @pl.when(i == k + 4)
            def _(k=k):
                tm_ref[k * tb:(k + 1) * tb, :] = jnp.maximum(
                    ke_ref[:, k:k + 1], ke)

        @pl.when(i == 3)
        def _():
            cb0_ref[...] = carry_ref[...]

        @pl.when(i == 7)
        def _():
            loss_ref[...] = (jnp.sum(psum_ref[...] * carry_ref[...],
                                     axis=(0, 1), keepdims=True)
                             * (nexp / float(total) / float(total)))

    @pl.when(i == 8)
    def _():
        cb0 = cb0_ref[...]
        ctot = carry_ref[...]
        a0 = jnp.max(jnp.where(cb0 > 0.5, lane8, -1))
        a1 = jnp.max(jnp.where((ctot - cb0 > 0.5) & (cb0 < float(cap)),
                               lane8, -1))
        slab = tm_ref[0:tb, :]
        slab = jnp.where(riota == 0, jnp.maximum(slab, a0), slab)
        slab = jnp.where(riota == 1, jnp.maximum(slab, a1), slab)
        tm_ref[0:tb, :] = slab
        carry2_ref[...] = jnp.zeros_like(carry2_ref)

    @pl.when((i >= 8) & (i < 12))
    def _():
        for k in range(4):
            @pl.when(i == k + 8)
            def _(k=k):
                tmv = tm_ref[k * tb:(k + 1) * tb, :]
                onehot2 = (tmv == lane8).astype(jnp.float32)
                rank = jnp.dot(ltri, onehot2,
                               preferred_element_type=jnp.float32)
                rank = rank + carry2_ref[...]
                rank2_ref[:, k:k + 1] = jnp.sum(
                    onehot2 * rank, axis=-1, keepdims=True)
                carry2_ref[...] += jnp.sum(onehot2, axis=0, keepdims=True)

    @pl.when(i == 11)
    def _():
        cnt2 = carry2_ref[...]
        padded = jnp.ceil(cnt2 / blk) * blk
        offv = jnp.dot(padded, u8, preferred_element_type=jnp.float32)
        off_ref[...] = offv
        tcol = jax.lax.broadcasted_iota(jnp.int32, (ntile, 1), 0)
        ge = (tcol.astype(jnp.float32) >= offv / blk).astype(jnp.int32)
        te = jnp.sum(ge, axis=-1, keepdims=True) - 1
        oec = offv + cnt2
        oe = jnp.sum((te == lane8).astype(jnp.float32) * oec,
                     axis=-1, keepdims=True)
        te_ref[...] = te
        oe_ref[...] = oe.astype(jnp.int32)

    @pl.when(i >= 12)
    def _():
        offv = off_ref[...]
        for k in range(4):
            @pl.when(i == k + 12)
            def _(k=k):
                tmv = tm_ref[k * tb:(k + 1) * tb, :]
                onehot2 = (tmv == lane8).astype(jnp.float32)
                off_tok = jnp.sum(onehot2 * offv, axis=-1, keepdims=True)
                any_e = jnp.sum(onehot2, axis=-1, keepdims=True) > 0.5
                slot = off_tok + rank2_ref[:, k:k + 1]
                slot_ref[0] = jnp.where(any_e, slot.astype(jnp.int32),
                                        nslot - 1)


def _dispatch_body(x_hbm, slot_hbm, xs_hbm, idx_v, rows_v, sem1, sem2, *,
                   nc, rw):
    wid = lax.axis_index("s") * nc + lax.axis_index("c")
    c1 = pltpu.async_copy(slot_hbm.at[wid], idx_v, sem1)
    c2 = pltpu.async_copy(x_hbm.at[pl.ds(wid * rw, rw)], rows_v, sem2)
    c1.wait()
    c2.wait()
    pltpu.async_copy(rows_v, xs_hbm.at[idx_v], sem1).wait()


def _combine_body(ys_hbm, slot_hbm, y0_hbm, idx_v, rows_v, sem, *, nc, rw):
    wid = lax.axis_index("s") * nc + lax.axis_index("c")
    pltpu.sync_copy(slot_hbm.at[wid], idx_v)
    pltpu.async_copy(ys_hbm.at[idx_v], rows_v, sem).wait()
    pltpu.sync_copy(rows_v, y0_hbm.at[pl.ds(wid * rw, rw)])


def _gffn_body(te_ref, oe_ref, x_ref, w1_ref, b1_ref, w2_ref, b2_ref, y_ref,
               *, blk):
    t = pl.program_id(0)
    x = x_ref[...].astype(jnp.bfloat16)
    w1 = w1_ref[0].astype(jnp.bfloat16)
    h = jnp.dot(x, w1, preferred_element_type=jnp.float32)
    h = jnp.maximum(h + b1_ref[0], 0.0)
    w2 = w2_ref[0].astype(jnp.bfloat16)
    y = jnp.dot(h.astype(jnp.bfloat16), w2,
                preferred_element_type=jnp.float32)
    y = y + b2_ref[0]
    row = jax.lax.broadcasted_iota(jnp.int32, y.shape, 0) + t * blk
    y_ref[...] = jnp.where(row < oe_ref[t], y, 0.0)


def kernel(x, Wg, bg, W1, b1, W2, b2):
    b, s, d = x.shape
    nexp = Wg.shape[1]
    total = b * s
    cap = int(total / nexp * 1.25)
    nt = 8
    tb = total // nt
    blk = 128
    nslot = s + nexp * blk
    ntile = nslot // blk
    xf = x.reshape(total, d)

    route = functools.partial(
        _route_body, nexp=nexp, tb=tb, cap=cap, total=total, blk=blk,
        nslot=nslot, ntile=ntile)
    slot4, te, oe, psum, loss = pl.pallas_call(
        route,
        grid=(2 * nt,),
        in_specs=[
            pl.BlockSpec((tb, d), lambda i: (jnp.minimum(i, 7), 0)),
            pl.BlockSpec((d, nexp), lambda i: (0, 0)),
            pl.BlockSpec((1, nexp), lambda i: (0, 0)),
        ],
        out_specs=[
            pl.BlockSpec((1, tb, 1),
                         lambda i: (jnp.maximum(i - 12, 0), 0, 0)),
            pl.BlockSpec((ntile, 1), lambda i: (0, 0)),
            pl.BlockSpec((ntile, 1), lambda i: (0, 0)),
            pl.BlockSpec((1, nexp), lambda i: (0, 0)),
            pl.BlockSpec((1, 1), lambda i: (0, 0)),
        ],
        out_shape=[
            jax.ShapeDtypeStruct((4, tb, 1), jnp.int32),
            jax.ShapeDtypeStruct((ntile, 1), jnp.int32),
            jax.ShapeDtypeStruct((ntile, 1), jnp.int32),
            jax.ShapeDtypeStruct((1, nexp), jnp.float32),
            jax.ShapeDtypeStruct((1, 1), jnp.float32),
        ],
        scratch_shapes=[
            pltpu.VMEM((1, nexp), jnp.float32),
            pltpu.VMEM((tb, 4), jnp.int32),
            pltpu.VMEM((1, nexp), jnp.float32),
            pltpu.VMEM((s, 1), jnp.int32),
            pltpu.VMEM((1, nexp), jnp.float32),
            pltpu.VMEM((tb, 4), jnp.float32),
            pltpu.VMEM((1, nexp), jnp.float32),
        ],
    )(xf, Wg, bg.reshape(1, nexp))

    info = plsc.get_sparse_core_info()
    nc, ns = info.num_cores, info.num_subcores
    nw = nc * ns
    rw = s // nw
    slot_w = slot4.reshape(nw, rw)
    mesh = plsc.VectorSubcoreMesh(core_axis_name="c", subcore_axis_name="s")

    xs = pl.kernel(
        functools.partial(_dispatch_body, nc=nc, rw=rw),
        out_type=jax.ShapeDtypeStruct((nslot, d), jnp.float32),
        mesh=mesh,
        scratch_types=[
            pltpu.VMEM((rw,), jnp.int32),
            pltpu.VMEM((rw, d), jnp.float32),
            pltpu.SemaphoreType.DMA,
            pltpu.SemaphoreType.DMA,
        ],
    )(x[0], slot_w)

    gffn = functools.partial(_gffn_body, blk=blk)
    ys = pl.pallas_call(
        gffn,
        grid_spec=pltpu.PrefetchScalarGridSpec(
            num_scalar_prefetch=2,
            grid=(ntile,),
            in_specs=[
                pl.BlockSpec((blk, d), lambda t, te_r, oe_r: (t, 0)),
                pl.BlockSpec((1, d, d),
                             lambda t, te_r, oe_r: (te_r[t], 0, 0)),
                pl.BlockSpec((1, 1, d),
                             lambda t, te_r, oe_r: (te_r[t], 0, 0)),
                pl.BlockSpec((1, d, d),
                             lambda t, te_r, oe_r: (te_r[t], 0, 0)),
                pl.BlockSpec((1, 1, d),
                             lambda t, te_r, oe_r: (te_r[t], 0, 0)),
            ],
            out_specs=pl.BlockSpec((blk, d), lambda t, te_r, oe_r: (t, 0)),
        ),
        out_shape=jax.ShapeDtypeStruct((nslot, d), jnp.float32),
    )(te.reshape(ntile), oe.reshape(ntile), xs, W1,
      b1.reshape(nexp, 1, d), W2, b2.reshape(nexp, 1, d))

    y0 = pl.kernel(
        functools.partial(_combine_body, nc=nc, rw=rw),
        out_type=jax.ShapeDtypeStruct((s, d), jnp.float32),
        mesh=mesh,
        scratch_types=[
            pltpu.VMEM((rw,), jnp.int32),
            pltpu.VMEM((rw, d), jnp.float32),
            pltpu.SemaphoreType.DMA,
        ],
    )(ys, slot_w)

    out = jnp.concatenate([y0[None], jnp.zeros_like(y0)[None]], axis=0)
    return out, loss[0, 0]

# --- scband reference (transcript-rebuilt; emitter-appended) ---
"""Pipeline reference for scband-sparse-mo-elayer-30769145708829 (READ-ONLY COPY).

The authoritative reference and input builder live on the scoring server;
editing this copy changes nothing except your own understanding.
"""

import jax, jax.numpy as jnp
import numpy as np

B, S, D, E = 2, 2048, 1024, 8
CAPACITY_FACTOR = 1.25

def setup_inputs(seed: int = 0):
    key = jax.random.key(seed)
    ks = jax.random.split(key, 8)
    x = jax.random.normal(ks[0], (B, S, D), jnp.float32)
    Wg = jax.random.normal(ks[1], (D, E), jnp.float32) * 0.02
    bg = jnp.zeros((E,), jnp.float32)
    W1 = jax.random.normal(ks[2], (E, D, D), jnp.float32) * 0.02
    b1 = jnp.zeros((E, D), jnp.float32)
    W2 = jax.random.normal(ks[3], (E, D, D), jnp.float32) * 0.02
    b2 = jnp.zeros((E, D), jnp.float32)
    return {"x": x, "Wg": Wg, "bg": bg, "W1": W1, "b1": b1, "W2": W2, "b2": b2}

def _forward(x, Wg, bg, W1, b1, W2, b2):
    b, s, d = x.shape
    total = b * s
    num_experts = Wg.shape[1]
    capacity = int(total / num_experts * CAPACITY_FACTOR)
    logits = x @ Wg + bg
    gating_score = jax.nn.softmax(logits, axis=-1)
    expert_indices = jnp.argmax(gating_score, axis=-1)
    flat_x = x.reshape(total, d)
    flat_idx = expert_indices.reshape(total)
    pos = jnp.arange(total)
    brow = pos // s
    scol = pos % s
    # Faithful replication of the torch code: nonzero on the 2D [B,S] mask yields
    # (batch, seq) coordinate PAIRS, and token_mask[indices] = e scatters the expert id
    # at the coordinate VALUES themselves (both columns). Capacity truncation keeps the
    # first min(n, capacity) rows in row-major (flat) order.
    token_mask = jnp.full((total,), -1, dtype=jnp.int32)
    for e in range(num_experts):
        m = flat_idx == e
        rank = jnp.cumsum(m) - 1
        kept = m & (rank < capacity)
        bidx = jnp.where(kept, brow, total)
        sidx = jnp.where(kept, scol, total)
        flag = jnp.zeros((total,), dtype=bool)
        flag = flag.at[bidx].set(True, mode='drop')
        flag = flag.at[sidx].set(True, mode='drop')
        token_mask = jnp.where(flag, jnp.int32(e), token_mask)
    output = jnp.zeros_like(flat_x)
    for e in range(num_experts):
        h = jax.nn.relu(flat_x @ W1[e] + b1[e])
        y = h @ W2[e] + b2[e]
        sel = token_mask == e
        output = jnp.where(sel[:, None], y, output)
    output = output.reshape(b, s, d)
    expert_probs = gating_score.reshape(total, num_experts).mean(axis=0)
    expert_density = jnp.bincount(flat_idx, length=num_experts) / total
    expert_losses = expert_probs * expert_density * (num_experts ** 2)
    expert_loss = expert_losses.mean()
    return output, expert_loss

def reference(x, Wg, bg, W1, b1, W2, b2):
    return _forward(x, Wg, bg, W1, b1, W2, b2)

if __name__ == "__main__":
    import jax
    _d = setup_inputs()
    print(jax.jit(kernel)(*tuple(_d.values())))

</pallas_src>

<mosaic_0001>
#map = affine_map<(d0, d1) -> (0, 0)>
module attributes {stable_mosaic.version = 14 : i64} {
  func.func @_dispatch_body(%arg0: i32, %arg1: i32, %arg2: memref<2048x1024xf32, #tpu.memory_space<hbm>>, %arg3: memref<32x64xi32, #tpu.memory_space<hbm>>, %arg4: memref<3072x1024xf32, #tpu.memory_space<hbm>>, %arg5: memref<64xi32, #tpu.memory_space<vmem>>, %arg6: memref<64x1024xf32, #tpu.memory_space<vmem>>, %arg7: memref<!tpu.dma_semaphore, #tpu.memory_space<semaphore_mem>>, %arg8: memref<!tpu.dma_semaphore, #tpu.memory_space<semaphore_mem>>) attributes {dimension_semantics = [#tpu.dimension_semantics<core_parallel>, #tpu.dimension_semantics<subcore_parallel>], iteration_bounds = array<i64: 2, 16>, scalar_prefetch = 0 : i64, scratch_operands = 4 : i64, tpu.core_type = #tpu.core_type<sc_vector_subcore>, window_params = [{transform_indices = #map}, {transform_indices = #map}, {transform_indices = #map}]} {
    %mul3A = arith.constant 2 : i32
    %mul3A_0 = arith.muli %arg1, %mul3A : i32
    %add3A = arith.addi %mul3A_0, %arg0 : i32
    %dma_start3A = arith.constant 0 : i32
    %dma_start3A_1 = tpu.memref_slice %arg3[%add3A, %dma_start3A] : memref<32x64xi32, #tpu.memory_space<hbm>> -> memref<1x64xi32, #tpu.memory_space<hbm>>
    %dma_start3A_2 = tpu.memref_squeeze %dma_start3A_1 : memref<1x64xi32, #tpu.memory_space<hbm>> -> memref<64xi32, #tpu.memory_space<hbm>>
    %dma_start3A_3 = arith.constant 0 : i32
    %dma_start3A_4 = tpu.memref_slice %arg3[%add3A, %dma_start3A_3] : memref<32x64xi32, #tpu.memory_space<hbm>> -> memref<1x64xi32, #tpu.memory_space<hbm>>
    %dma_start3A_5 = tpu.memref_squeeze %dma_start3A_4 : memref<1x64xi32, #tpu.memory_space<hbm>> -> memref<64xi32, #tpu.memory_space<hbm>>
    tpu.enqueue_dma source(%dma_start3A_5 : memref<64xi32, #tpu.memory_space<hbm>>) target(%arg5 : memref<64xi32, #tpu.memory_space<vmem>>) target_semaphore(%arg7 : memref<!tpu.dma_semaphore, #tpu.memory_space<semaphore_mem>>)
    %mul3A_6 = arith.constant 64 : i32
    %mul3A_7 = arith.muli %add3A, %mul3A_6 : i32
    %dma_start3A_8 = arith.constant 0 : i32
    %dma_start3A_9 = tpu.memref_slice %arg2[%mul3A_7, %dma_start3A_8] : memref<2048x1024xf32, #tpu.memory_space<hbm>> -> memref<64x1024xf32, #tpu.memory_space<hbm>>
    %dma_start3A_10 = arith.constant 0 : i32
    %dma_start3A_11 = tpu.memref_slice %arg2[%mul3A_7, %dma_start3A_10] : memref<2048x1024xf32, #tpu.memory_space<hbm>> -> memref<64x1024xf32, #tpu.memory_space<hbm>>
    tpu.enqueue_dma source(%dma_start3A_11 : memref<64x1024xf32, #tpu.memory_space<hbm>>) target(%arg6 : memref<64x1024xf32, #tpu.memory_space<vmem>>) target_semaphore(%arg8 : memref<!tpu.dma_semaphore, #tpu.memory_space<semaphore_mem>>)
    %dma_wait3A = arith.constant 0 : i32
    %dma_wait3A_12 = tpu.memref_slice %arg3[%add3A, %dma_wait3A] : memref<32x64xi32, #tpu.memory_space<hbm>> -> memref<1x64xi32, #tpu.memory_space<hbm>>
    %dma_wait3A_13 = tpu.memref_squeeze %dma_wait3A_12 : memref<1x64xi32, #tpu.memory_space<hbm>> -> memref<64xi32, #tpu.memory_space<hbm>>
    %dma_wait3A_14 = arith.constant 0 : i32
    %dma_wait3A_15 = tpu.memref_slice %arg3[%add3A, %dma_wait3A_14] : memref<32x64xi32, #tpu.memory_space<hbm>> -> memref<1x64xi32, #tpu.memory_space<hbm>>
    %dma_wait3A_16 = tpu.memref_squeeze %dma_wait3A_15 : memref<1x64xi32, #tpu.memory_space<hbm>> -> memref<64xi32, #tpu.memory_space<hbm>>
    tpu.wait_dma2 semaphore(%arg7 : memref<!tpu.dma_semaphore, #tpu.memory_space<semaphore_mem>>) src(%dma_wait3A_16 : memref<64xi32, #tpu.memory_space<hbm>>) dst(%arg5 : memref<64xi32, #tpu.memory_space<vmem>>)
    %dma_wait3A_17 = arith.constant 0 : i32
    %dma_wait3A_18 = tpu.memref_slice %arg2[%mul3A_7, %dma_wait3A_17] : memref<2048x1024xf32, #tpu.memory_space<hbm>> -> memref<64x1024xf32, #tpu.memory_space<hbm>>
    %dma_wait3A_19 = arith.constant 0 : i32
    %dma_wait3A_20 = tpu.memref_slice %arg2[%mul3A_7, %dma_wait3A_19] : memref<2048x1024xf32, #tpu.memory_space<hbm>> -> memref<64x1024xf32, #tpu.memory_space<hbm>>
    tpu.wait_dma2 semaphore(%arg8 : memref<!tpu.dma_semaphore, #tpu.memory_space<semaphore_mem>>) src(%dma_wait3A_20 : memref<64x1024xf32, #tpu.memory_space<hbm>>) dst(%arg6 : memref<64x1024xf32, #tpu.memory_space<vmem>>)
    %dma_start3A_21 = arith.constant 0 : i32
    %dma_start3A_22 = arith.constant 0 : i32
    %dma_start3A_23 = tpu.memref_slice %arg4[%dma_start3A_21, %dma_start3A_22] : memref<3072x1024xf32, #tpu.memory_space<hbm>> -> memref<3072x1024xf32, #tpu.memory_space<hbm>>
    tpu.enqueue_indirect_dma source(%arg6 : memref<64x1024xf32, #tpu.memory_space<vmem>>) target(%dma_start3A_23 : memref<3072x1024xf32, #tpu.memory_space<hbm>>) offsets(%arg5 : memref<64xi32, #tpu.memory_space<vmem>>) semaphore(%arg7 : memref<!tpu.dma_semaphore, #tpu.memory_space<semaphore_mem>>)
    %dma_wait3A_24 = arith.constant 0 : i32
    %dma_wait3A_25 = arith.constant 0 : i32
    %dma_wait3A_26 = tpu.memref_slice %arg4[%dma_wait3A_24, %dma_wait3A_25] : memref<3072x1024xf32, #tpu.memory_space<hbm>> -> memref<3072x1024xf32, #tpu.memory_space<hbm>>
    tpu.wait_indirect_dma semaphore(%arg7 : memref<!tpu.dma_semaphore, #tpu.memory_space<semaphore_mem>>) src(%arg6 : memref<64x1024xf32, #tpu.memory_space<vmem>>) dst(%dma_wait3A_26 : memref<3072x1024xf32, #tpu.memory_space<hbm>>)
    return
  }
}

#map = affine_map<(d0, d1) -> (0, 0)>
module attributes {stable_mosaic.version = 14 : i64} {
  func.func @_combine_body(%arg0: i32, %arg1: i32, %arg2: memref<3072x1024xf32, #tpu.memory_space<hbm>>, %arg3: memref<32x64xi32, #tpu.memory_space<hbm>>, %arg4: memref<2048x1024xf32, #tpu.memory_space<hbm>>, %arg5: memref<64xi32, #tpu.memory_space<vmem>>, %arg6: memref<64x1024xf32, #tpu.memory_space<vmem>>, %arg7: memref<!tpu.dma_semaphore, #tpu.memory_space<semaphore_mem>>) attributes {dimension_semantics = [#tpu.dimension_semantics<core_parallel>, #tpu.dimension_semantics<subcore_parallel>], iteration_bounds = array<i64: 2, 16>, scalar_prefetch = 0 : i64, scratch_operands = 3 : i64, tpu.core_type = #tpu.core_type<sc_vector_subcore>, window_params = [{transform_indices = #map}, {transform_indices = #map}, {transform_indices = #map}]} {
    %mul3A = arith.constant 2 : i32
    %mul3A_0 = arith.muli %arg1, %mul3A : i32
    %add3A = arith.addi %mul3A_0, %arg0 : i32
    "tpu.region"() ({
      %run_scoped3A = tpu.sem_alloc : memref<!tpu.dma_semaphore, #tpu.memory_space<semaphore_mem>>
      %dma_start3A_7 = arith.constant 0 : i32
      %dma_start3A_8 = tpu.memref_slice %arg3[%add3A, %dma_start3A_7] : memref<32x64xi32, #tpu.memory_space<hbm>> -> memref<1x64xi32, #tpu.memory_space<hbm>>
      %dma_start3A_9 = tpu.memref_squeeze %dma_start3A_8 : memref<1x64xi32, #tpu.memory_space<hbm>> -> memref<64xi32, #tpu.memory_space<hbm>>
      %dma_start3A_10 = arith.constant 0 : i32
      %dma_start3A_11 = tpu.memref_slice %arg3[%add3A, %dma_start3A_10] : memref<32x64xi32, #tpu.memory_space<hbm>> -> memref<1x64xi32, #tpu.memory_space<hbm>>
      %dma_start3A_12 = tpu.memref_squeeze %dma_start3A_11 : memref<1x64xi32, #tpu.memory_space<hbm>> -> memref<64xi32, #tpu.memory_space<hbm>>
      tpu.enqueue_dma source(%dma_start3A_12 : memref<64xi32, #tpu.memory_space<hbm>>) target(%arg5 : memref<64xi32, #tpu.memory_space<vmem>>) target_semaphore(%run_scoped3A : memref<!tpu.dma_semaphore, #tpu.memory_space<semaphore_mem>>)
      %dma_wait3A_13 = arith.constant 0 : i32
      %dma_wait3A_14 = tpu.memref_slice %arg3[%add3A, %dma_wait3A_13] : memref<32x64xi32, #tpu.memory_space<hbm>> -> memref<1x64xi32, #tpu.memory_space<hbm>>
      %dma_wait3A_15 = tpu.memref_squeeze %dma_wait3A_14 : memref<1x64xi32, #tpu.memory_space<hbm>> -> memref<64xi32, #tpu.memory_space<hbm>>
      %dma_wait3A_16 = arith.constant 0 : i32
      %dma_wait3A_17 = tpu.memref_slice %arg3[%add3A, %dma_wait3A_16] : memref<32x64xi32, #tpu.memory_space<hbm>> -> memref<1x64xi32, #tpu.memory_space<hbm>>
      %dma_wait3A_18 = tpu.memref_squeeze %dma_wait3A_17 : memref<1x64xi32, #tpu.memory_space<hbm>> -> memref<64xi32, #tpu.memory_space<hbm>>
      tpu.wait_dma2 semaphore(%run_scoped3A : memref<!tpu.dma_semaphore, #tpu.memory_space<semaphore_mem>>) src(%dma_wait3A_18 : memref<64xi32, #tpu.memory_space<hbm>>) dst(%arg5 : memref<64xi32, #tpu.memory_space<vmem>>)
      tpu.yield
    }) : () -> ()
    %dma_start3A = arith.constant 0 : i32
    %dma_start3A_1 = arith.constant 0 : i32
    %dma_start3A_2 = tpu.memref_slice %arg2[%dma_start3A, %dma_start3A_1] : memref<3072x1024xf32, #tpu.memory_space<hbm>> -> memref<3072x1024xf32, #tpu.memory_space<hbm>>
    tpu.enqueue_indirect_dma source(%dma_start3A_2 : memref<3072x1024xf32, #tpu.memory_space<hbm>>) target(%arg6 : memref<64x1024xf32, #tpu.memory_space<vmem>>) offsets(%arg5 : memref<64xi32, #tpu.memory_space<vmem>>) semaphore(%arg7 : memref<!tpu.dma_semaphore, #tpu.memory_space<semaphore_mem>>)
    %dma_wait3A = arith.constant 0 : i32
    %dma_wait3A_3 = arith.constant 0 : i32
    %dma_wait3A_4 = tpu.memref_slice %arg2[%dma_wait3A, %dma_wait3A_3] : memref<3072x1024xf32, #tpu.memory_space<hbm>> -> memref<3072x1024xf32, #tpu.memory_space<hbm>>
    tpu.wait_indirect_dma semaphore(%arg7 : memref<!tpu.dma_semaphore, #tpu.memory_space<semaphore_mem>>) src(%dma_wait3A_4 : memref<3072x1024xf32, #tpu.memory_space<hbm>>) dst(%arg6 : memref<64x1024xf32, #tpu.memory_space<vmem>>)
    %mul3A_5 = arith.constant 64 : i32
    %mul3A_6 = arith.muli %add3A, %mul3A_5 : i32
    "tpu.region"() ({
      %run_scoped3A = tpu.sem_alloc : memref<!tpu.dma_semaphore, #tpu.memory_space<semaphore_mem>>
      %dma_start3A_7 = arith.constant 0 : i32
      %dma_start3A_8 = tpu.memref_slice %arg4[%mul3A_6, %dma_start3A_7] : memref<2048x1024xf32, #tpu.memory_space<hbm>> -> memref<64x1024xf32, #tpu.memory_space<hbm>>
      %dma_start3A_9 = arith.constant 0 : i32
      %dma_start3A_10 = tpu.memref_slice %arg4[%mul3A_6, %dma_start3A_9] : memref<2048x1024xf32, #tpu.memory_space<hbm>> -> memref<64x1024xf32, #tpu.memory_space<hbm>>
      tpu.enqueue_dma source(%arg6 : memref<64x1024xf32, #tpu.memory_space<vmem>>) target(%dma_start3A_10 : memref<64x1024xf32, #tpu.memory_space<hbm>>) target_semaphore(%run_scoped3A : memref<!tpu.dma_semaphore, #tpu.memory_space<semaphore_mem>>)
      %dma_wait3A_11 = arith.constant 0 : i32
      %dma_wait3A_12 = tpu.memref_slice %arg4[%mul3A_6, %dma_wait3A_11] : memref<2048x1024xf32, #tpu.memory_space<hbm>> -> memref<64x1024xf32, #tpu.memory_space<hbm>>
      %dma_wait3A_13 = arith.constant 0 : i32
      %dma_wait3A_14 = tpu.memref_slice %arg4[%mul3A_6, %dma_wait3A_13] : memref<2048x1024xf32, #tpu.memory_space<hbm>> -> memref<64x1024xf32, #tpu.memory_space<hbm>>
      tpu.wait_dma2 semaphore(%run_scoped3A : memref<!tpu.dma_semaphore, #tpu.memory_space<semaphore_mem>>) src(%arg6 : memref<64x1024xf32, #tpu.memory_space<vmem>>) dst(%dma_wait3A_14 : memref<64x1024xf32, #tpu.memory_space<hbm>>)
      tpu.yield
    }) : () -> ()
    return
  }
}

module attributes {stable_mosaic.version = 14 : i64} {
  func.func @_route_body(%arg0: i32, %arg1: memref<512x1024xf32, #tpu.memory_space<vmem>>, %arg2: memref<1024x8xf32, #tpu.memory_space<vmem>>, %arg3: memref<1x8xf32, #tpu.memory_space<vmem>>, %arg4: memref<1x512x1xi32, #tpu.memory_space<vmem>>, %arg5: memref<24x1xi32, #tpu.memory_space<vmem>>, %arg6: memref<24x1xi32, #tpu.memory_space<vmem>>, %arg7: memref<1x8xf32, #tpu.memory_space<vmem>>, %arg8: memref<1x1xf32, #tpu.memory_space<vmem>>, %arg9: memref<1x8xf32, #tpu.memory_space<vmem>>, %arg10: memref<512x4xi32, #tpu.memory_space<vmem>>, %arg11: memref<1x8xf32, #tpu.memory_space<vmem>>, %arg12: memref<2048x1xi32, #tpu.memory_space<vmem>>, %arg13: memref<1x8xf32, #tpu.memory_space<vmem>>, %arg14: memref<512x4xf32, #tpu.memory_space<vmem>>, %arg15: memref<1x8xf32, #tpu.memory_space<vmem>>) attributes {dimension_semantics = [#tpu.dimension_semantics<arbitrary>], iteration_bounds = array<i64: 16>, scalar_prefetch = 0 : i64, scratch_operands = 7 : i64, tpu.core_type = #tpu.core_type<tc>, window_params = [{transform_indices = @transform_0, window_bounds = array<i64: 512, 1024>}, {pipeline_mode = #tpu.pipeline_mode<synchronous>, transform_indices = @transform_1, window_bounds = array<i64: 1024, 8>}, {pipeline_mode = #tpu.pipeline_mode<synchronous>, transform_indices = @transform_2, window_bounds = array<i64: 1, 8>}, {transform_indices = @transform_3, window_bounds = array<i64: 1, 512, 1>}, {pipeline_mode = #tpu.pipeline_mode<synchronous>, transform_indices = @transform_4, window_bounds = array<i64: 24, 1>}, {pipeline_mode = #tpu.pipeline_mode<synchronous>, transform_indices = @transform_5, window_bounds = array<i64: 24, 1>}, {pipeline_mode = #tpu.pipeline_mode<synchronous>, transform_indices = @transform_6, window_bounds = array<i64: 1, 8>}, {pipeline_mode = #tpu.pipeline_mode<synchronous>, transform_indices = @transform_7, window_bounds = array<i64: 1, 1>}]} {
    %eq3A = arith.constant 0 : i32
    %eq3A_0 = arith.cmpi eq, %arg0, %eq3A : i32
    %convert_element_type3A = arith.extui %eq3A_0 : i1 to i32
    %cond3A = arith.constant 0 : i32
    %cond3A_1 = arith.cmpi ne, %convert_element_type3A, %cond3A : i32
    scf.if %cond3A_1 {
      %broadcast_in_dim3A = arith.constant 0.000000e+00 : f32
      %broadcast_in_dim3A_37 = vector.broadcast %broadcast_in_dim3A : f32 to vector<1x8xf32>
      %swap3A = arith.constant 0 : index
      %swap3A_38 = arith.constant 0 : index
      %swap3A_39 = vector.load %arg9[%swap3A, %swap3A_38] : memref<1x8xf32, #tpu.memory_space<vmem>>, vector<1x8xf32>
      tpu.vector_store %arg9[%swap3A, %swap3A_38], %broadcast_in_dim3A_37 {strides = array<i32>} : memref<1x8xf32, #tpu.memory_space<vmem>>, vector<1x8xf32>,
      %broadcast_in_dim3A_40 = arith.constant 0.000000e+00 : f32
      %broadcast_in_dim3A_41 = vector.broadcast %broadcast_in_dim3A_40 : f32 to vector<1x8xf32>
      %swap3A_42 = arith.constant 0 : index
      %swap3A_43 = arith.constant 0 : index
      %swap3A_44 = vector.load %arg7[%swap3A_42, %swap3A_43] : memref<1x8xf32, #tpu.memory_space<vmem>>, vector<1x8xf32>
      tpu.vector_store %arg7[%swap3A_42, %swap3A_43], %broadcast_in_dim3A_41 {strides = array<i32>} : memref<1x8xf32, #tpu.memory_space<vmem>>, vector<1x8xf32>,
    } else {
    }
    %iota3A = tpu.iota {dimensions = array<i32: 1>} : vector<1x8xi32>
    %iota3A_2 = tpu.iota {dimensions = array<i32: 0>} : vector<8x8xi32>
    %iota3A_3 = tpu.iota {dimensions = array<i32: 1>} : vector<8x8xi32>
    %lt3A = arith.cmpi slt, %iota3A_2, %iota3A_3 : vector<8x8xi32>
    %convert_element_type3A_4 = arith.extui %lt3A : vector<8x8xi1> to vector<8x8xi32>
    %convert_element_type3A_5 = arith.sitofp %convert_element_type3A_4 : vector<8x8xi32> to vector<8x8xf32>
    %iota3A_6 = tpu.iota {dimensions = array<i32: 0>} : vector<512x512xi32>
    %iota3A_7 = tpu.iota {dimensions = array<i32: 1>} : vector<512x512xi32>
    %gt3A = arith.cmpi sgt, %iota3A_6, %iota3A_7 : vector<512x512xi32>
    %convert_element_type3A_8 = arith.extui %gt3A : vector<512x512xi1> to vector<512x512xi32>
    %convert_element_type3A_9 = arith.sitofp %convert_element_type3A_8 : vector<512x512xi32> to vector<512x512xf32>
    %iota3A_10 = tpu.iota {dimensions = array<i32: 0>} : vector<512x1xi32>
    %lt3A_11 = arith.constant 8 : i32
    %lt3A_12 = arith.cmpi slt, %arg0, %lt3A_11 : i32
    %convert_element_type3A_13 = arith.extui %lt3A_12 : i1 to i32
    %cond3A_14 = arith.constant 0 : i32
    %cond3A_15 = arith.cmpi ne, %convert_element_type3A_13, %cond3A_14 : i32
    scf.if %cond3A_15 {
      %get3A = arith.constant 0 : index
      %get3A_37 = arith.constant 0 : index
      %get3A_38 = vector.load %arg1[%get3A, %get3A_37] : memref<512x1024xf32, #tpu.memory_space<vmem>>, vector<512x1024xf32>
      %get3A_39 = arith.constant 0 : index
      %get3A_40 = arith.constant 0 : index
      %get3A_41 = vector.load %arg2[%get3A_39, %get3A_40] : memref<1024x8xf32, #tpu.memory_space<vmem>>, vector<1024x8xf32>
      %dot_general3A = arith.constant dense<0.000000e+00> : vector<512x8xf32>
      %dot_general3A_42 = tpu.matmul %get3A_38, %get3A_41, %dot_general3A {dimension_numbers = #tpu.dot_dimension_numbers<[1], [0], [0], [1], [0, 0, 1, 1], [], []>, transpose_lhs_hint = false} : vector<512x1024xf32>, vector<1024x8xf32>, vector<512x8xf32> -> vector<512x8xf32>
      %get3A_43 = arith.constant 0 : index
      %get3A_44 = arith.constant 0 : index
      %get3A_45 = vector.load %arg3[%get3A_43, %get3A_44] : memref<1x8xf32, #tpu.memory_space<vmem>>, vector<1x8xf32>
      %add3A = vector.broadcast %get3A_45 : vector<1x8xf32> to vector<512x8xf32>
      %add3A_46 = arith.addf %dot_general3A_42, %add3A : vector<512x8xf32>
      %reduce_max3A = arith.constant dense<0xFF800000> : vector<512xf32>
      %reduce_max3A_47 = vector.multi_reduction <maximumf>, %add3A_46, %reduce_max3A [1] : vector<512x8xf32> to vector<512xf32>
      %broadcast_in_dim3A = vector.shape_cast %reduce_max3A_47 : vector<512xf32> to vector<512x1xf32>
      %sub3A = vector.broadcast %broadcast_in_dim3A : vector<512x1xf32> to vector<512x8xf32>
      %sub3A_48 = arith.subf %add3A_46, %sub3A : vector<512x8xf32>
      %exp3A = math.exp %sub3A_48 : vector<512x8xf32>
      %reduce_sum3A = arith.constant dense<0.000000e+00> : vector<512xf32>
      %reduce_sum3A_49 = vector.multi_reduction <add>, %exp3A, %reduce_sum3A [1] : vector<512x8xf32> to vector<512xf32>
      %broadcast_in_dim3A_50 = vector.shape_cast %reduce_sum3A_49 : vector<512xf32> to vector<512x1xf32>
      %div3A = vector.broadcast %broadcast_in_dim3A_50 : vector<512x1xf32> to vector<512x8xf32>
      %div3A_51 = arith.divf %exp3A, %div3A : vector<512x8xf32>
      %get3A_52 = arith.constant 0 : index
      %get3A_53 = arith.constant 0 : index
      %get3A_54 = vector.load %arg7[%get3A_52, %get3A_53] : memref<1x8xf32, #tpu.memory_space<vmem>>, vector<1x8xf32>
      %reduce_sum3A_55 = arith.constant dense<0.000000e+00> : vector<8xf32>
      %reduce_sum3A_56 = vector.multi_reduction <add>, %div3A_51, %reduce_sum3A_55 [0] : vector<512x8xf32> to vector<8xf32>
      %broadcast_in_dim3A_57 = vector.shape_cast %reduce_sum3A_56 : vector<8xf32> to vector<1x8xf32>
      %add3A_58 = arith.addf %get3A_54, %broadcast_in_dim3A_57 : vector<1x8xf32>
      %swap3A = arith.constant 0 : index
      %swap3A_59 = arith.constant 0 : index
      %swap3A_60 = vector.load %arg7[%swap3A, %swap3A_59] : memref<1x8xf32, #tpu.memory_space<vmem>>, vector<1x8xf32>
      tpu.vector_store %arg7[%swap3A, %swap3A_59], %add3A_58 {strides = array<i32>} : memref<1x8xf32, #tpu.memory_space<vmem>>, vector<1x8xf32>,
      %eq3A_61 = vector.broadcast %broadcast_in_dim3A : vector<512x1xf32> to vector<512x8xf32>
      %eq3A_62 = arith.cmpf oeq, %add3A_46, %eq3A_61 : vector<512x8xf32>
      %convert_element_type3A_63 = arith.extui %eq3A_62 : vector<512x8xi1> to vector<512x8xi32>
      %convert_element_type3A_64 = arith.sitofp %convert_element_type3A_63 : vector<512x8xi32> to vector<512x8xf32>
      %dot_general3A_65 = arith.constant dense<0.000000e+00> : vector<512x8xf32>
      %dot_general3A_66 = tpu.matmul %convert_element_type3A_64, %convert_element_type3A_5, %dot_general3A_65 {dimension_numbers = #tpu.dot_dimension_numbers<[1], [0], [0], [1], [0, 0, 1, 1], [], []>, transpose_lhs_hint = false} : vector<512x8xf32>, vector<8x8xf32>, vector<512x8xf32> -> vector<512x8xf32>
      %eq3A_67 = arith.constant 0.000000e+00 : f32
      %eq3A_68 = vector.broadcast %eq3A_67 : f32 to vector<512x8xf32>
      %eq3A_69 = arith.cmpf oeq, %dot_general3A_66, %eq3A_68 : vector<512x8xf32>
      %convert_element_type3A_70 = arith.extui %eq3A_69 : vector<512x8xi1> to vector<512x8xi32>
      %convert_element_type3A_71 = arith.sitofp %convert_element_type3A_70 : vector<512x8xi32> to vector<512x8xf32>
      %mul3A = arith.mulf %convert_element_type3A_64, %convert_element_type3A_71 : vector<512x8xf32>
      %dot_general3A_72 = arith.constant dense<0.000000e+00> : vector<512x8xf32>
      %dot_general3A_73 = tpu.matmul %convert_element_type3A_9, %mul3A, %dot_general3A_72 {dimension_numbers = #tpu.dot_dimension_numbers<[1], [0], [0], [1], [0, 0, 1, 1], [], []>, transpose_lhs_hint = false} : vector<512x512xf32>, vector<512x8xf32>, vector<512x8xf32> -> vector<512x8xf32>
      %get3A_74 = arith.constant 0 : index
      %get3A_75 = arith.constant 0 : index
      %get3A_76 = vector.load %arg9[%get3A_74, %get3A_75] : memref<1x8xf32, #tpu.memory_space<vmem>>, vector<1x8xf32>
      %add3A_77 = vector.broadcast %get3A_76 : vector<1x8xf32> to vector<512x8xf32>
      %add3A_78 = arith.addf %dot_general3A_73, %add3A_77 : vector<512x8xf32>
      %gt3A_79 = arith.constant 5.000000e-01 : f32
      %gt3A_80 = vector.broadcast %gt3A_79 : f32 to vector<512x8xf32>
      %gt3A_81 = arith.cmpf ogt, %mul3A, %gt3A_80 : vector<512x8xf32>
      %lt3A_82 = arith.constant 6.400000e+02 : f32
      %lt3A_83 = vector.broadcast %lt3A_82 : f32 to vector<512x8xf32>
      %lt3A_84 = arith.cmpf olt, %add3A_78, %lt3A_83 : vector<512x8xf32>
      %and3A_85 = arith.andi %gt3A_81, %lt3A_84 : vector<512x8xi1>
      %iota3A_86 = tpu.iota {dimensions = array<i32: 1>} : vector<512x8xi32>
      %jit3A = arith.constant -1 : i32
      %broadcast_in_dim3A_87 = vector.broadcast %jit3A : i32 to vector<512x8xi32>
      %select_n3A = arith.select %and3A_85, %iota3A_86, %broadcast_in_dim3A_87 : vector<512x8xi1>, vector<512x8xi32>
      %reduce_max3A_88 = arith.constant dense<-2147483648> : vector<512xi32>
      %reduce_max3A_89 = vector.multi_reduction <maxsi>, %select_n3A, %reduce_max3A_88 [1] : vector<512x8xi32> to vector<512xi32>
      %broadcast_in_dim3A_90 = vector.shape_cast %reduce_max3A_89 : vector<512xi32> to vector<512x1xi32>
      %get3A_91 = arith.constant 0 : index
      %get3A_92 = arith.constant 0 : index
      %get3A_93 = vector.load %arg9[%get3A_91, %get3A_92] : memref<1x8xf32, #tpu.memory_space<vmem>>, vector<1x8xf32>
      %reduce_sum3A_94 = arith.constant dense<0.000000e+00> : vector<8xf32>
      %reduce_sum3A_95 = vector.multi_reduction <add>, %mul3A, %reduce_sum3A_94 [0] : vector<512x8xf32> to vector<8xf32>
      %broadcast_in_dim3A_96 = vector.shape_cast %reduce_sum3A_95 : vector<8xf32> to vector<1x8xf32>
      %add3A_97 = arith.addf %get3A_93, %broadcast_in_dim3A_96 : vector<1x8xf32>
      %swap3A_98 = arith.constant 0 : index
      %swap3A_99 = arith.constant 0 : index
      %swap3A_100 = vector.load %arg9[%swap3A_98, %swap3A_99] : memref<1x8xf32, #tpu.memory_space<vmem>>, vector<1x8xf32>
      tpu.vector_store %arg9[%swap3A_98, %swap3A_99], %add3A_97 {strides = array<i32>} : memref<1x8xf32, #tpu.memory_space<vmem>>, vector<1x8xf32>,
      %eq3A_101 = arith.constant 0 : i32
      %eq3A_102 = arith.cmpi eq, %arg0, %eq3A_101 : i32
      %convert_element_type3A_103 = arith.extui %eq3A_102 : i1 to i32
      %cond3A_104 = arith.constant 0 : i32
      %cond3A_105 = arith.cmpi ne, %convert_element_type3A_103, %cond3A_104 : i32
      scf.if %cond3A_105 {
        %swap3A_151 = arith.constant 0 : index
        %swap3A_152 = arith.constant 0 : index
        %swap3A_153 = vector.load %arg10[%swap3A_151, %swap3A_152] : memref<512x4xi32, #tpu.memory_space<vmem>>, vector<512x1xi32>
        tpu.vector_store %arg10[%swap3A_151, %swap3A_152], %broadcast_in_dim3A_90 {strides = array<i32>} : memref<512x4xi32, #tpu.memory_space<vmem>>, vector<512x1xi32>,
      } else {
      }
      %eq3A_106 = arith.constant 4 : i32
      %eq3A_107 = arith.cmpi eq, %arg0, %eq3A_106 : i32
      %convert_element_type3A_108 = arith.extui %eq3A_107 : i1 to i32
      %cond3A_109 = arith.constant 0 : i32
      %cond3A_110 = arith.cmpi ne, %convert_element_type3A_108, %cond3A_109 : i32
      scf.if %cond3A_110 {
        %get3A_151 = arith.constant 0 : index
        %get3A_152 = arith.constant 0 : index
        %get3A_153 = vector.load %arg10[%get3A_151, %get3A_152] : memref<512x4xi32, #tpu.memory_space<vmem>>, vector<512x1xi32>
        %max3A = arith.maxsi %get3A_153, %broadcast_in_dim3A_90 : vector<512x1xi32>
        %swap3A_154 = arith.constant 0 : index
        %swap3A_155 = arith.constant 0 : index
        %swap3A_156 = vector.load %arg12[%swap3A_154, %swap3A_155] : memref<2048x1xi32, #tpu.memory_space<vmem>>, vector<512x1xi32>
        tpu.vector_store %arg12[%swap3A_154, %swap3A_155], %max3A {strides = array<i32>} : memref<2048x1xi32, #tpu.memory_space<vmem>>, vector<512x1xi32>,
      } else {
      }
      %eq3A_111 = arith.constant 1 : i32
      %eq3A_112 = arith.cmpi eq, %arg0, %eq3A_111 : i32
      %convert_element_type3A_113 = arith.extui %eq3A_112 : i1 to i32
      %cond3A_114 = arith.constant 0 : i32
      %cond3A_115 = arith.cmpi ne, %convert_element_type3A_113, %cond3A_114 : i32
      scf.if %cond3A_115 {
        %swap3A_151 = arith.constant 0 : index
        %swap3A_152 = arith.constant 1 : index
        %swap3A_153 = vector.load %arg10[%swap3A_151, %swap3A_152] : memref<512x4xi32, #tpu.memory_space<vmem>>, vector<512x1xi32>
        tpu.vector_store %arg10[%swap3A_151, %swap3A_152], %broadcast_in_dim3A_90 {strides = array<i32>} : memref<512x4xi32, #tpu.memory_space<vmem>>, vector<512x1xi32>,
      } else {
      }
      %eq3A_116 = arith.constant 5 : i32
      %eq3A_117 = arith.cmpi eq, %arg0, %eq3A_116 : i32
      %convert_element_type3A_118 = arith.extui %eq3A_117 : i1 to i32
      %cond3A_119 = arith.constant 0 : i32
      %cond3A_120 = arith.cmpi ne, %convert_element_type3A_118, %cond3A_119 : i32
      scf.if %cond3A_120 {
        %get3A_151 = arith.constant 0 : index
        %get3A_152 = arith.constant 1 : index
        %get3A_153 = vector.load %arg10[%get3A_151, %get3A_152] : memref<512x4xi32, #tpu.memory_space<vmem>>, vector<512x1xi32>
        %max3A = arith.maxsi %get3A_153, %broadcast_in_dim3A_90 : vector<512x1xi32>
        %swap3A_154 = arith.constant 512 : index
        %swap3A_155 = arith.constant 0 : index
        %swap3A_156 = vector.load %arg12[%swap3A_154, %swap3A_155] : memref<2048x1xi32, #tpu.memory_space<vmem>>, vector<512x1xi32>
        tpu.vector_store %arg12[%swap3A_154, %swap3A_155], %max3A {strides = array<i32>} : memref<2048x1xi32, #tpu.memory_space<vmem>>, vector<512x1xi32>,
      } else {
      }
      %eq3A_121 = arith.constant 2 : i32
      %eq3A_122 = arith.cmpi eq, %arg0, %eq3A_121 : i32
      %convert_element_type3A_123 = arith.extui %eq3A_122 : i1 to i32
      %cond3A_124 = arith.constant 0 : i32
      %cond3A_125 = arith.cmpi ne, %convert_element_type3A_123, %cond3A_124 : i32
      scf.if %cond3A_125 {
        %swap3A_151 = arith.constant 0 : index
        %swap3A_152 = arith.constant 2 : index
        %swap3A_153 = vector.load %arg10[%swap3A_151, %swap3A_152] : memref<512x4xi32, #tpu.memory_space<vmem>>, vector<512x1xi32>
        tpu.vector_store %arg10[%swap3A_151, %swap3A_152], %broadcast_in_dim3A_90 {strides = array<i32>} : memref<512x4xi32, #tpu.memory_space<vmem>>, vector<512x1xi32>,
      } else {
      }
      %eq3A_126 = arith.constant 6 : i32
      %eq3A_127 = arith.cmpi eq, %arg0, %eq3A_126 : i32
      %convert_element_type3A_128 = arith.extui %eq3A_127 : i1 to i32
      %cond3A_129 = arith.constant 0 : i32
      %cond3A_130 = arith.cmpi ne, %convert_element_type3A_128, %cond3A_129 : i32
      scf.if %cond3A_130 {
        %get3A_151 = arith.constant 0 : index
        %get3A_152 = arith.constant 2 : index
        %get3A_153 = vector.load %arg10[%get3A_151, %get3A_152] : memref<512x4xi32, #tpu.memory_space<vmem>>, vector<512x1xi32>
        %max3A = arith.maxsi %get3A_153, %broadcast_in_dim3A_90 : vector<512x1xi32>
        %swap3A_154 = arith.constant 1024 : index
        %swap3A_155 = arith.constant 0 : index
        %swap3A_156 = vector.load %arg12[%swap3A_154, %swap3A_155] : memref<2048x1xi32, #tpu.memory_space<vmem>>, vector<512x1xi32>
        tpu.vector_store %arg12[%swap3A_154, %swap3A_155], %max3A {strides = array<i32>} : memref<2048x1xi32, #tpu.memory_space<vmem>>, vector<512x1xi32>,
      } else {
      }
      %eq3A_131 = arith.constant 3 : i32
      %eq3A_132 = arith.cmpi eq, %arg0, %eq3A_131 : i32
      %convert_element_type3A_133 = arith.extui %eq3A_132 : i1 to i32
      %cond3A_134 = arith.constant 0 : i32
      %cond3A_135 = arith.cmpi ne, %convert_element_type3A_133, %cond3A_134 : i32
      scf.if %cond3A_135 {
        %swap3A_151 = arith.constant 0 : index
        %swap3A_152 = arith.constant 3 : index
        %swap3A_153 = vector.load %arg10[%swap3A_151, %swap3A_152] : memref<512x4xi32, #tpu.memory_space<vmem>>, vector<512x1xi32>
        tpu.vector_store %arg10[%swap3A_151, %swap3A_152], %broadcast_in_dim3A_90 {strides = array<i32>} : memref<512x4xi32, #tpu.memory_space<vmem>>, vector<512x1xi32>,
      } else {
      }
      %eq3A_136 = arith.constant 7 : i32
      %eq3A_137 = arith.cmpi eq, %arg0, %eq3A_136 : i32
      %convert_element_type3A_138 = arith.extui %eq3A_137 : i1 to i32
      %cond3A_139 = arith.constant 0 : i32
      %cond3A_140 = arith.cmpi ne, %convert_element_type3A_138, %cond3A_139 : i32
      scf.if %cond3A_140 {
        %get3A_151 = arith.constant 0 : index
        %get3A_152 = arith.constant 3 : index
        %get3A_153 = vector.load %arg10[%get3A_151, %get3A_152] : memref<512x4xi32, #tpu.memory_space<vmem>>, vector<512x1xi32>
        %max3A = arith.maxsi %get3A_153, %broadcast_in_dim3A_90 : vector<512x1xi32>
        %swap3A_154 = arith.constant 1536 : index
        %swap3A_155 = arith.constant 0 : index
        %swap3A_156 = vector.load %arg12[%swap3A_154, %swap3A_155] : memref<2048x1xi32, #tpu.memory_space<vmem>>, vector<512x1xi32>
        tpu.vector_store %arg12[%swap3A_154, %swap3A_155], %max3A {strides = array<i32>} : memref<2048x1xi32, #tpu.memory_space<vmem>>, vector<512x1xi32>,
      } else {
      }
      %eq3A_141 = arith.constant 3 : i32
      %eq3A_142 = arith.cmpi eq, %arg0, %eq3A_141 : i32
      %convert_element_type3A_143 = arith.extui %eq3A_142 : i1 to i32
      %cond3A_144 = arith.constant 0 : i32
      %cond3A_145 = arith.cmpi ne, %convert_element_type3A_143, %cond3A_144 : i32
      scf.if %cond3A_145 {
        %get3A_151 = arith.constant 0 : index
        %get3A_152 = arith.constant 0 : index
        %get3A_153 = vector.load %arg9[%get3A_151, %get3A_152] : memref<1x8xf32, #tpu.memory_space<vmem>>, vector<1x8xf32>
        %swap3A_154 = arith.constant 0 : index
        %swap3A_155 = arith.constant 0 : index
        %swap3A_156 = vector.load %arg11[%swap3A_154, %swap3A_155] : memref<1x8xf32, #tpu.memory_space<vmem>>, vector<1x8xf32>
        tpu.vector_store %arg11[%swap3A_154, %swap3A_155], %get3A_153 {strides = array<i32>} : memref<1x8xf32, #tpu.memory_space<vmem>>, vector<1x8xf32>,
      } else {
      }
      %eq3A_146 = arith.constant 7 : i32
      %eq3A_147 = arith.cmpi eq, %arg0, %eq3A_146 : i32
      %convert_element_type3A_148 = arith.extui %eq3A_147 : i1 to i32
      %cond3A_149 = arith.constant 0 : i32
      %cond3A_150 = arith.cmpi ne, %convert_element_type3A_148, %cond3A_149 : i32
      scf.if %cond3A_150 {
        %get3A_151 = arith.constant 0 : index
        %get3A_152 = arith.constant 0 : index
        %get3A_153 = vector.load %arg7[%get3A_151, %get3A_152] : memref<1x8xf32, #tpu.memory_space<vmem>>, vector<1x8xf32>
        %get3A_154 = arith.constant 0 : index
        %get3A_155 = arith.constant 0 : index
        %get3A_156 = vector.load %arg9[%get3A_154, %get3A_155] : memref<1x8xf32, #tpu.memory_space<vmem>>, vector<1x8xf32>
        %mul3A_157 = arith.mulf %get3A_153, %get3A_156 : vector<1x8xf32>
        %reduce_sum3A_158 = vector.shape_cast %mul3A_157 : vector<1x8xf32> to vector<1x1x8xf32>
        %reduce_sum3A_159 = arith.constant dense<0.000000e+00> : vector<1xf32>
        %reduce_sum3A_160 = vector.multi_reduction <add>, %reduce_sum3A_158, %reduce_sum3A_159 [1, 2] : vector<1x1x8xf32> to vector<1xf32>
        %reduce_sum3A_161 = vector.shape_cast %reduce_sum3A_160 : vector<1xf32> to vector<1x1x1xf32>
        %reduce_sum3A_162 = vector.extract %reduce_sum3A_161[0, 0, 0] : f32 from vector<1x1x1xf32>
        %broadcast_in_dim3A_163 = vector.broadcast %reduce_sum3A_162 : f32 to vector<1x1xf32>
        %mul3A_164 = arith.constant 4.76837158E-7 : f32
        %mul3A_165 = vector.broadcast %mul3A_164 : f32 to vector<1x1xf32>
        %mul3A_166 = arith.mulf %broadcast_in_dim3A_163, %mul3A_165 : vector<1x1xf32>
        %swap3A_167 = arith.constant 0 : index
        %swap3A_168 = arith.constant 0 : index
        %swap3A_169 = vector.load %arg8[%swap3A_167, %swap3A_168] : memref<1x1xf32, #tpu.memory_space<vmem>>, vector<1x1xf32>
        tpu.vector_store %arg8[%swap3A_167, %swap3A_168], %mul3A_166 {strides = array<i32>} : memref<1x1xf32, #tpu.memory_space<vmem>>, vector<1x1xf32>,
      } else {
      }
    } else {
    }
    %eq3A_16 = arith.constant 8 : i32
    %eq3A_17 = arith.cmpi eq, %arg0, %eq3A_16 : i32
    %convert_element_type3A_18 = arith.extui %eq3A_17 : i1 to i32
    %cond3A_19 = arith.constant 0 : i32
    %cond3A_20 = arith.cmpi ne, %convert_element_type3A_18, %cond3A_19 : i32
    scf.if %cond3A_20 {
      %get3A = arith.constant 0 : index
      %get3A_37 = arith.constant 0 : index
      %get3A_38 = vector.load %arg11[%get3A, %get3A_37] : memref<1x8xf32, #tpu.memory_space<vmem>>, vector<1x8xf32>
      %get3A_39 = arith.constant 0 : index
      %get3A_40 = arith.constant 0 : index
      %get3A_41 = vector.load %arg9[%get3A_39, %get3A_40] : memref<1x8xf32, #tpu.memory_space<vmem>>, vector<1x8xf32>
      %gt3A_42 = arith.constant 5.000000e-01 : f32
      %gt3A_43 = vector.broadcast %gt3A_42 : f32 to vector<1x8xf32>
      %gt3A_44 = arith.cmpf ogt, %get3A_38, %gt3A_43 : vector<1x8xf32>
      %jit3A = arith.constant -1 : i32
      %broadcast_in_dim3A = vector.broadcast %jit3A : i32 to vector<1x8xi32>
      %select_n3A = arith.select %gt3A_44, %iota3A, %broadcast_in_dim3A : vector<1x8xi1>, vector<1x8xi32>
      %reduce_max3A = vector.shape_cast %select_n3A : vector<1x8xi32> to vector<1x1x8xi32>
      %reduce_max3A_45 = arith.constant dense<-2147483648> : vector<1xi32>
      %reduce_max3A_46 = vector.multi_reduction <maxsi>, %reduce_max3A, %reduce_max3A_45 [1, 2] : vector<1x1x8xi32> to vector<1xi32>
      %reduce_max3A_47 = vector.shape_cast %reduce_max3A_46 : vector<1xi32> to vector<1x1x1xi32>
      %reduce_max3A_48 = vector.extract %reduce_max3A_47[0, 0, 0] : i32 from vector<1x1x1xi32>
      %sub3A = arith.subf %get3A_41, %get3A_38 : vector<1x8xf32>
      %gt3A_49 = arith.constant 5.000000e-01 : f32
      %gt3A_50 = vector.broadcast %gt3A_49 : f32 to vector<1x8xf32>
      %gt3A_51 = arith.cmpf ogt, %sub3A, %gt3A_50 : vector<1x8xf32>
      %lt3A_52 = arith.constant 6.400000e+02 : f32
      %lt3A_53 = vector.broadcast %lt3A_52 : f32 to vector<1x8xf32>
      %lt3A_54 = arith.cmpf olt, %get3A_38, %lt3A_53 : vector<1x8xf32>
      %and3A_55 = arith.andi %gt3A_51, %lt3A_54 : vector<1x8xi1>
      %jit3A_56 = arith.constant -1 : i32
      %broadcast_in_dim3A_57 = vector.broadcast %jit3A_56 : i32 to vector<1x8xi32>
      %select_n3A_58 = arith.select %and3A_55, %iota3A, %broadcast_in_dim3A_57 : vector<1x8xi1>, vector<1x8xi32>
      %reduce_max3A_59 = vector.shape_cast %select_n3A_58 : vector<1x8xi32> to vector<1x1x8xi32>
      %reduce_max3A_60 = arith.constant dense<-2147483648> : vector<1xi32>
      %reduce_max3A_61 = vector.multi_reduction <maxsi>, %reduce_max3A_59, %reduce_max3A_60 [1, 2] : vector<1x1x8xi32> to vector<1xi32>
      %reduce_max3A_62 = vector.shape_cast %reduce_max3A_61 : vector<1xi32> to vector<1x1x1xi32>
      %reduce_max3A_63 = vector.extract %reduce_max3A_62[0, 0, 0] : i32 from vector<1x1x1xi32>
      %get3A_64 = arith.constant 0 : index
      %get3A_65 = arith.constant 0 : index
      %get3A_66 = vector.load %arg12[%get3A_64, %get3A_65] : memref<2048x1xi32, #tpu.memory_space<vmem>>, vector<512x1xi32>
      %eq3A_67 = arith.constant 0 : i32
      %eq3A_68 = vector.broadcast %eq3A_67 : i32 to vector<512x1xi32>
      %eq3A_69 = arith.cmpi eq, %iota3A_10, %eq3A_68 : vector<512x1xi32>
      %max3A = vector.broadcast %reduce_max3A_48 : i32 to vector<512x1xi32>
      %max3A_70 = arith.maxsi %get3A_66, %max3A : vector<512x1xi32>
      %select_n3A_71 = arith.select %eq3A_69, %max3A_70, %get3A_66 : vector<512x1xi1>, vector<512x1xi32>
      %eq3A_72 = arith.constant 1 : i32
      %eq3A_73 = vector.broadcast %eq3A_72 : i32 to vector<512x1xi32>
      %eq3A_74 = arith.cmpi eq, %iota3A_10, %eq3A_73 : vector<512x1xi32>
      %max3A_75 = vector.broadcast %reduce_max3A_63 : i32 to vector<512x1xi32>
      %max3A_76 = arith.maxsi %select_n3A_71, %max3A_75 : vector<512x1xi32>
      %select_n3A_77 = arith.select %eq3A_74, %max3A_76, %select_n3A_71 : vector<512x1xi1>, vector<512x1xi32>
      %swap3A = arith.constant 0 : index
      %swap3A_78 = arith.constant 0 : index
      %swap3A_79 = vector.load %arg12[%swap3A, %swap3A_78] : memref<2048x1xi32, #tpu.memory_space<vmem>>, vector<512x1xi32>
      tpu.vector_store %arg12[%swap3A, %swap3A_78], %select_n3A_77 {strides = array<i32>} : memref<2048x1xi32, #tpu.memory_space<vmem>>, vector<512x1xi32>,
      %broadcast_in_dim3A_80 = arith.constant 0.000000e+00 : f32
      %broadcast_in_dim3A_81 = vector.broadcast %broadcast_in_dim3A_80 : f32 to vector<1x8xf32>
      %swap3A_82 = arith.constant 0 : index
      %swap3A_83 = arith.constant 0 : index
      %swap3A_84 = vector.load %arg13[%swap3A_82, %swap3A_83] : memref<1x8xf32, #tpu.memory_space<vmem>>, vector<1x8xf32>
      tpu.vector_store %arg13[%swap3A_82, %swap3A_83], %broadcast_in_dim3A_81 {strides = array<i32>} : memref<1x8xf32, #tpu.memory_space<vmem>>, vector<1x8xf32>,
    } else {
    }
    %ge3A = arith.constant 8 : i32
    %ge3A_21 = arith.cmpi sge, %arg0, %ge3A : i32
    %lt3A_22 = arith.constant 12 : i32
    %lt3A_23 = arith.cmpi slt, %arg0, %lt3A_22 : i32
    %and3A = arith.andi %ge3A_21, %lt3A_23 : i1
    %convert_element_type3A_24 = arith.extui %and3A : i1 to i32
    %cond3A_25 = arith.constant 0 : i32
    %cond3A_26 = arith.cmpi ne, %convert_element_type3A_24, %cond3A_25 : i32
    scf.if %cond3A_26 {
      %eq3A_37 = arith.constant 8 : i32
      %eq3A_38 = arith.cmpi eq, %arg0, %eq3A_37 : i32
      %convert_element_type3A_39 = arith.extui %eq3A_38 : i1 to i32
      %cond3A_40 = arith.constant 0 : i32
      %cond3A_41 = arith.cmpi ne, %convert_element_type3A_39, %cond3A_40 : i32
      scf.if %cond3A_41 {
        %get3A = arith.constant 0 : index
        %get3A_57 = arith.constant 0 : index
        %get3A_58 = vector.load %arg12[%get3A, %get3A_57] : memref<2048x1xi32, #tpu.memory_space<vmem>>, vector<512x1xi32>
        %eq3A_59 = vector.broadcast %get3A_58 : vector<512x1xi32> to vector<512x8xi32>
        %eq3A_60 = vector.broadcast %iota3A : vector<1x8xi32> to vector<512x8xi32>
        %eq3A_61 = arith.cmpi eq, %eq3A_59, %eq3A_60 : vector<512x8xi32>
        %convert_element_type3A_62 = arith.extui %eq3A_61 : vector<512x8xi1> to vector<512x8xi32>
        %convert_element_type3A_63 = arith.sitofp %convert_element_type3A_62 : vector<512x8xi32> to vector<512x8xf32>
        %dot_general3A = arith.constant dense<0.000000e+00> : vector<512x8xf32>
        %dot_general3A_64 = tpu.matmul %convert_element_type3A_9, %convert_element_type3A_63, %dot_general3A {dimension_numbers = #tpu.dot_dimension_numbers<[1], [0], [0], [1], [0, 0, 1, 1], [], []>, transpose_lhs_hint = false} : vector<512x512xf32>, vector<512x8xf32>, vector<512x8xf32> -> vector<512x8xf32>
        %get3A_65 = arith.constant 0 : index
        %get3A_66 = arith.constant 0 : index
        %get3A_67 = vector.load %arg13[%get3A_65, %get3A_66] : memref<1x8xf32, #tpu.memory_space<vmem>>, vector<1x8xf32>
        %add3A = vector.broadcast %get3A_67 : vector<1x8xf32> to vector<512x8xf32>
        %add3A_68 = arith.addf %dot_general3A_64, %add3A : vector<512x8xf32>
        %mul3A = arith.mulf %convert_element_type3A_63, %add3A_68 : vector<512x8xf32>
        %reduce_sum3A = arith.constant dense<0.000000e+00> : vector<512xf32>
        %reduce_sum3A_69 = vector.multi_reduction <add>, %mul3A, %reduce_sum3A [1] : vector<512x8xf32> to vector<512xf32>
        %broadcast_in_dim3A = vector.shape_cast %reduce_sum3A_69 : vector<512xf32> to vector<512x1xf32>
        %swap3A = arith.constant 0 : index
        %swap3A_70 = arith.constant 0 : index
        %swap3A_71 = vector.load %arg14[%swap3A, %swap3A_70] : memref<512x4xf32, #tpu.memory_space<vmem>>, vector<512x1xf32>
        tpu.vector_store %arg14[%swap3A, %swap3A_70], %broadcast_in_dim3A {strides = array<i32>} : memref<512x4xf32, #tpu.memory_space<vmem>>, vector<512x1xf32>,
        %get3A_72 = arith.constant 0 : index
        %get3A_73 = arith.constant 0 : index
        %get3A_74 = vector.load %arg13[%get3A_72, %get3A_73] : memref<1x8xf32, #tpu.memory_space<vmem>>, vector<1x8xf32>
        %reduce_sum3A_75 = arith.constant dense<0.000000e+00> : vector<8xf32>
        %reduce_sum3A_76 = vector.multi_reduction <add>, %convert_element_type3A_63, %reduce_sum3A_75 [0] : vector<512x8xf32> to vector<8xf32>
        %broadcast_in_dim3A_77 = vector.shape_cast %reduce_sum3A_76 : vector<8xf32> to vector<1x8xf32>
        %add3A_78 = arith.addf %get3A_74, %broadcast_in_dim3A_77 : vector<1x8xf32>
        %swap3A_79 = arith.constant 0 : index
        %swap3A_80 = arith.constant 0 : index
        %swap3A_81 = vector.load %arg13[%swap3A_79, %swap3A_80] : memref<1x8xf32, #tpu.memory_space<vmem>>, vector<1x8xf32>
        tpu.vector_store %arg13[%swap3A_79, %swap3A_80], %add3A_78 {strides = array<i32>} : memref<1x8xf32, #tpu.memory_space<vmem>>, vector<1x8xf32>,
      } else {
      }
      %eq3A_42 = arith.constant 9 : i32
      %eq3A_43 = arith.cmpi eq, %arg0, %eq3A_42 : i32
      %convert_element_type3A_44 = arith.extui %eq3A_43 : i1 to i32
      %cond3A_45 = arith.constant 0 : i32
      %cond3A_46 = arith.cmpi ne, %convert_element_type3A_44, %cond3A_45 : i32
      scf.if %cond3A_46 {
        %get3A = arith.constant 512 : index
        %get3A_57 = arith.constant 0 : index
        %get3A_58 = vector.load %arg12[%get3A, %get3A_57] : memref<2048x1xi32, #tpu.memory_space<vmem>>, vector<512x1xi32>
        %eq3A_59 = vector.broadcast %get3A_58 : vector<512x1xi32> to vector<512x8xi32>
        %eq3A_60 = vector.broadcast %iota3A : vector<1x8xi32> to vector<512x8xi32>
        %eq3A_61 = arith.cmpi eq, %eq3A_59, %eq3A_60 : vector<512x8xi32>
        %convert_element_type3A_62 = arith.extui %eq3A_61 : vector<512x8xi1> to vector<512x8xi32>
        %convert_element_type3A_63 = arith.sitofp %convert_element_type3A_62 : vector<512x8xi32> to vector<512x8xf32>
        %dot_general3A = arith.constant dense<0.000000e+00> : vector<512x8xf32>
        %dot_general3A_64 = tpu.matmul %convert_element_type3A_9, %convert_element_type3A_63, %dot_general3A {dimension_numbers = #tpu.dot_dimension_numbers<[1], [0], [0], [1], [0, 0, 1, 1], [], []>, transpose_lhs_hint = false} : vector<512x512xf32>, vector<512x8xf32>, vector<512x8xf32> -> vector<512x8xf32>
        %get3A_65 = arith.constant 0 : index
        %get3A_66 = arith.constant 0 : index
        %get3A_67 = vector.load %arg13[%get3A_65, %get3A_66] : memref<1x8xf32, #tpu.memory_space<vmem>>, vector<1x8xf32>
        %add3A = vector.broadcast %get3A_67 : vector<1x8xf32> to vector<512x8xf32>
        %add3A_68 = arith.addf %dot_general3A_64, %add3A : vector<512x8xf32>
        %mul3A = arith.mulf %convert_element_type3A_63, %add3A_68 : vector<512x8xf32>
        %reduce_sum3A = arith.constant dense<0.000000e+00> : vector<512xf32>
        %reduce_sum3A_69 = vector.multi_reduction <add>, %mul3A, %reduce_sum3A [1] : vector<512x8xf32> to vector<512xf32>
        %broadcast_in_dim3A = vector.shape_cast %reduce_sum3A_69 : vector<512xf32> to vector<512x1xf32>
        %swap3A = arith.constant 0 : index
        %swap3A_70 = arith.constant 1 : index
        %swap3A_71 = vector.load %arg14[%swap3A, %swap3A_70] : memref<512x4xf32, #tpu.memory_space<vmem>>, vector<512x1xf32>
        tpu.vector_store %arg14[%swap3A, %swap3A_70], %broadcast_in_dim3A {strides = array<i32>} : memref<512x4xf32, #tpu.memory_space<vmem>>, vector<512x1xf32>,
        %get3A_72 = arith.constant 0 : index
        %get3A_73 = arith.constant 0 : index
        %get3A_74 = vector.load %arg13[%get3A_72, %get3A_73] : memref<1x8xf32, #tpu.memory_space<vmem>>, vector<1x8xf32>
        %reduce_sum3A_75 = arith.constant dense<0.000000e+00> : vector<8xf32>
        %reduce_sum3A_76 = vector.multi_reduction <add>, %convert_element_type3A_63, %reduce_sum3A_75 [0] : vector<512x8xf32> to vector<8xf32>
        %broadcast_in_dim3A_77 = vector.shape_cast %reduce_sum3A_76 : vector<8xf32> to vector<1x8xf32>
        %add3A_78 = arith.addf %get3A_74, %broadcast_in_dim3A_77 : vector<1x8xf32>
        %swap3A_79 = arith.constant 0 : index
        %swap3A_80 = arith.constant 0 : index
        %swap3A_81 = vector.load %arg13[%swap3A_79, %swap3A_80] : memref<1x8xf32, #tpu.memory_space<vmem>>, vector<1x8xf32>
        tpu.vector_store %arg13[%swap3A_79, %swap3A_80], %add3A_78 {strides = array<i32>} : memref<1x8xf32, #tpu.memory_space<vmem>>, vector<1x8xf32>,
      } else {
      }
      %eq3A_47 = arith.constant 10 : i32
      %eq3A_48 = arith.cmpi eq, %arg0, %eq3A_47 : i32
      %convert_element_type3A_49 = arith.extui %eq3A_48 : i1 to i32
      %cond3A_50 = arith.constant 0 : i32
      %cond3A_51 = arith.cmpi ne, %convert_element_type3A_49, %cond3A_50 : i32
      scf.if %cond3A_51 {
        %get3A = arith.constant 1024 : index
        %get3A_57 = arith.constant 0 : index
        %get3A_58 = vector.load %arg12[%get3A, %get3A_57] : memref<2048x1xi32, #tpu.memory_space<vmem>>, vector<512x1xi32>
        %eq3A_59 = vector.broadcast %get3A_58 : vector<512x1xi32> to vector<512x8xi32>
        %eq3A_60 = vector.broadcast %iota3A : vector<1x8xi32> to vector<512x8xi32>
        %eq3A_61 = arith.cmpi eq, %eq3A_59, %eq3A_60 : vector<512x8xi32>
        %convert_element_type3A_62 = arith.extui %eq3A_61 : vector<512x8xi1> to vector<512x8xi32>
        %convert_element_type3A_63 = arith.sitofp %convert_element_type3A_62 : vector<512x8xi32> to vector<512x8xf32>
        %dot_general3A = arith.constant dense<0.000000e+00> : vector<512x8xf32>
        %dot_general3A_64 = tpu.matmul %convert_element_type3A_9, %convert_element_type3A_63, %dot_general3A {dimension_numbers = #tpu.dot_dimension_numbers<[1], [0], [0], [1], [0, 0, 1, 1], [], []>, transpose_lhs_hint = false} : vector<512x512xf32>, vector<512x8xf32>, vector<512x8xf32> -> vector<512x8xf32>
        %get3A_65 = arith.constant 0 : index
        %get3A_66 = arith.constant 0 : index
        %get3A_67 = vector.load %arg13[%get3A_65, %get3A_66] : memref<1x8xf32, #tpu.memory_space<vmem>>, vector<1x8xf32>
        %add3A = vector.broadcast %get3A_67 : vector<1x8xf32> to vector<512x8xf32>
        %add3A_68 = arith.addf %dot_general3A_64, %add3A : vector<512x8xf32>
        %mul3A = arith.mulf %convert_element_type3A_63, %add3A_68 : vector<512x8xf32>
        %reduce_sum3A = arith.constant dense<0.000000e+00> : vector<512xf32>
        %reduce_sum3A_69 = vector.multi_reduction <add>, %mul3A, %reduce_sum3A [1] : vector<512x8xf32> to vector<512xf32>
        %broadcast_in_dim3A = vector.shape_cast %reduce_sum3A_69 : vector<512xf32> to vector<512x1xf32>
        %swap3A = arith.constant 0 : index
        %swap3A_70 = arith.constant 2 : index
        %swap3A_71 = vector.load %arg14[%swap3A, %swap3A_70] : memref<512x4xf32, #tpu.memory_space<vmem>>, vector<512x1xf32>
        tpu.vector_store %arg14[%swap3A, %swap3A_70], %broadcast_in_dim3A {strides = array<i32>} : memref<512x4xf32, #tpu.memory_space<vmem>>, vector<512x1xf32>,
        %get3A_72 = arith.constant 0 : index
        %get3A_73 = arith.constant 0 : index
        %get3A_74 = vector.load %arg13[%get3A_72, %get3A_73] : memref<1x8xf32, #tpu.memory_space<vmem>>, vector<1x8xf32>
        %reduce_sum3A_75 = arith.constant dense<0.000000e+00> : vector<8xf32>
        %reduce_sum3A_76 = vector.multi_reduction <add>, %convert_element_type3A_63, %reduce_sum3A_75 [0] : vector<512x8xf32> to vector<8xf32>
        %broadcast_in_dim3A_77 = vector.shape_cast %reduce_sum3A_76 : vector<8xf32> to vector<1x8xf32>
        %add3A_78 = arith.addf %get3A_74, %broadcast_in_dim3A_77 : vector<1x8xf32>
        %swap3A_79 = arith.constant 0 : index
        %swap3A_80 = arith.constant 0 : index
        %swap3A_81 = vector.load %arg13[%swap3A_79, %swap3A_80] : memref<1x8xf32, #tpu.memory_space<vmem>>, vector<1x8xf32>
        tpu.vector_store %arg13[%swap3A_79, %swap3A_80], %add3A_78 {strides = array<i32>} : memref<1x8xf32, #tpu.memory_space<vmem>>, vector<1x8xf32>,
      } else {
      }
      %eq3A_52 = arith.constant 11 : i32
      %eq3A_53 = arith.cmpi eq, %arg0, %eq3A_52 : i32
      %convert_element_type3A_54 = arith.extui %eq3A_53 : i1 to i32
      %cond3A_55 = arith.constant 0 : i32
      %cond3A_56 = arith.cmpi ne, %convert_element_type3A_54, %cond3A_55 : i32
      scf.if %cond3A_56 {
        %get3A = arith.constant 1536 : index
        %get3A_57 = arith.constant 0 : index
        %get3A_58 = vector.load %arg12[%get3A, %get3A_57] : memref<2048x1xi32, #tpu.memory_space<vmem>>, vector<512x1xi32>
        %eq3A_59 = vector.broadcast %get3A_58 : vector<512x1xi32> to vector<512x8xi32>
        %eq3A_60 = vector.broadcast %iota3A : vector<1x8xi32> to vector<512x8xi32>
        %eq3A_61 = arith.cmpi eq, %eq3A_59, %eq3A_60 : vector<512x8xi32>
        %convert_element_type3A_62 = arith.extui %eq3A_61 : vector<512x8xi1> to vector<512x8xi32>
        %convert_element_type3A_63 = arith.sitofp %convert_element_type3A_62 : vector<512x8xi32> to vector<512x8xf32>
        %dot_general3A = arith.constant dense<0.000000e+00> : vector<512x8xf32>
        %dot_general3A_64 = tpu.matmul %convert_element_type3A_9, %convert_element_type3A_63, %dot_general3A {dimension_numbers = #tpu.dot_dimension_numbers<[1], [0], [0], [1], [0, 0, 1, 1], [], []>, transpose_lhs_hint = false} : vector<512x512xf32>, vector<512x8xf32>, vector<512x8xf32> -> vector<512x8xf32>
        %get3A_65 = arith.constant 0 : index
        %get3A_66 = arith.constant 0 : index
        %get3A_67 = vector.load %arg13[%get3A_65, %get3A_66] : memref<1x8xf32, #tpu.memory_space<vmem>>, vector<1x8xf32>
        %add3A = vector.broadcast %get3A_67 : vector<1x8xf32> to vector<512x8xf32>
        %add3A_68 = arith.addf %dot_general3A_64, %add3A : vector<512x8xf32>
        %mul3A = arith.mulf %convert_element_type3A_63, %add3A_68 : vector<512x8xf32>
        %reduce_sum3A = arith.constant dense<0.000000e+00> : vector<512xf32>
        %reduce_sum3A_69 = vector.multi_reduction <add>, %mul3A, %reduce_sum3A [1] : vector<512x8xf32> to vector<512xf32>
        %broadcast_in_dim3A = vector.shape_cast %reduce_sum3A_69 : vector<512xf32> to vector<512x1xf32>
        %swap3A = arith.constant 0 : index
        %swap3A_70 = arith.constant 3 : index
        %swap3A_71 = vector.load %arg14[%swap3A, %swap3A_70] : memref<512x4xf32, #tpu.memory_space<vmem>>, vector<512x1xf32>
        tpu.vector_store %arg14[%swap3A, %swap3A_70], %broadcast_in_dim3A {strides = array<i32>} : memref<512x4xf32, #tpu.memory_space<vmem>>, vector<512x1xf32>,
        %get3A_72 = arith.constant 0 : index
        %get3A_73 = arith.constant 0 : index
        %get3A_74 = vector.load %arg13[%get3A_72, %get3A_73] : memref<1x8xf32, #tpu.memory_space<vmem>>, vector<1x8xf32>
        %reduce_sum3A_75 = arith.constant dense<0.000000e+00> : vector<8xf32>
        %reduce_sum3A_76 = vector.multi_reduction <add>, %convert_element_type3A_63, %reduce_sum3A_75 [0] : vector<512x8xf32> to vector<8xf32>
        %broadcast_in_dim3A_77 = vector.shape_cast %reduce_sum3A_76 : vector<8xf32> to vector<1x8xf32>
        %add3A_78 = arith.addf %get3A_74, %broadcast_in_dim3A_77 : vector<1x8xf32>
        %swap3A_79 = arith.constant 0 : index
        %swap3A_80 = arith.constant 0 : index
        %swap3A_81 = vector.load %arg13[%swap3A_79, %swap3A_80] : memref<1x8xf32, #tpu.memory_space<vmem>>, vector<1x8xf32>
        tpu.vector_store %arg13[%swap3A_79, %swap3A_80], %add3A_78 {strides = array<i32>} : memref<1x8xf32, #tpu.memory_space<vmem>>, vector<1x8xf32>,
      } else {
      }
    } else {
    }
    %eq3A_27 = arith.constant 11 : i32
    %eq3A_28 = arith.cmpi eq, %arg0, %eq3A_27 : i32
    %convert_element_type3A_29 = arith.extui %eq3A_28 : i1 to i32
    %cond3A_30 = arith.constant 0 : i32
    %cond3A_31 = arith.cmpi ne, %convert_element_type3A_29, %cond3A_30 : i32
    scf.if %cond3A_31 {
      %get3A = arith.constant 0 : index
      %get3A_37 = arith.constant 0 : index
      %get3A_38 = vector.load %arg13[%get3A, %get3A_37] : memref<1x8xf32, #tpu.memory_space<vmem>>, vector<1x8xf32>
      %div3A = arith.constant 1.280000e+02 : f32
      %div3A_39 = vector.broadcast %div3A : f32 to vector<1x8xf32>
      %div3A_40 = arith.divf %get3A_38, %div3A_39 : vector<1x8xf32>
      %ceil3A = math.ceil %div3A_40 : vector<1x8xf32>
      %mul3A = arith.constant 1.280000e+02 : f32
      %mul3A_41 = vector.broadcast %mul3A : f32 to vector<1x8xf32>
      %mul3A_42 = arith.mulf %ceil3A, %mul3A_41 : vector<1x8xf32>
      %dot_general3A = arith.constant dense<0.000000e+00> : vector<1x8xf32>
      %dot_general3A_43 = tpu.matmul %mul3A_42, %convert_element_type3A_5, %dot_general3A {dimension_numbers = #tpu.dot_dimension_numbers<[1], [0], [0], [1], [0, 0, 1, 1], [], []>, transpose_lhs_hint = false} : vector<1x8xf32>, vector<8x8xf32>, vector<1x8xf32> -> vector<1x8xf32>
      %swap3A = arith.constant 0 : index
      %swap3A_44 = arith.constant 0 : index
      %swap3A_45 = vector.load %arg15[%swap3A, %swap3A_44] : memref<1x8xf32, #tpu.memory_space<vmem>>, vector<1x8xf32>
      tpu.vector_store %arg15[%swap3A, %swap3A_44], %dot_general3A_43 {strides = array<i32>} : memref<1x8xf32, #tpu.memory_space<vmem>>, vector<1x8xf32>,
      %iota3A_46 = tpu.iota {dimensions = array<i32: 0>} : vector<24x1xi32>
      %convert_element_type3A_47 = arith.sitofp %iota3A_46 : vector<24x1xi32> to vector<24x1xf32>
      %div3A_48 = arith.constant 1.280000e+02 : f32
      %div3A_49 = vector.broadcast %div3A_48 : f32 to vector<1x8xf32>
      %div3A_50 = arith.divf %dot_general3A_43, %div3A_49 : vector<1x8xf32>
      %ge3A_51 = vector.broadcast %convert_element_type3A_47 : vector<24x1xf32> to vector<24x8xf32>
      %ge3A_52 = vector.broadcast %div3A_50 : vector<1x8xf32> to vector<24x8xf32>
      %ge3A_53 = arith.cmpf oge, %ge3A_51, %ge3A_52 : vector<24x8xf32>
      %convert_element_type3A_54 = arith.extui %ge3A_53 : vector<24x8xi1> to vector<24x8xi32>
      %reduce_sum3A = arith.constant dense<0> : vector<24xi32>
      %reduce_sum3A_55 = vector.multi_reduction <add>, %convert_element_type3A_54, %reduce_sum3A [1] : vector<24x8xi32> to vector<24xi32>
      %broadcast_in_dim3A = vector.shape_cast %reduce_sum3A_55 : vector<24xi32> to vector<24x1xi32>
      %sub3A = arith.constant 1 : i32
      %sub3A_56 = vector.broadcast %sub3A : i32 to vector<24x1xi32>
      %sub3A_57 = arith.subi %broadcast_in_dim3A, %sub3A_56 : vector<24x1xi32>
      %add3A = arith.addf %dot_general3A_43, %get3A_38 : vector<1x8xf32>
      %eq3A_58 = vector.broadcast %sub3A_57 : vector<24x1xi32> to vector<24x8xi32>
      %eq3A_59 = vector.broadcast %iota3A : vector<1x8xi32> to vector<24x8xi32>
      %eq3A_60 = arith.cmpi eq, %eq3A_58, %eq3A_59 : vector<24x8xi32>
      %convert_element_type3A_61 = arith.extui %eq3A_60 : vector<24x8xi1> to vector<24x8xi32>
      %convert_element_type3A_62 = arith.sitofp %convert_element_type3A_61 : vector<24x8xi32> to vector<24x8xf32>
      %mul3A_63 = vector.broadcast %add3A : vector<1x8xf32> to vector<24x8xf32>
      %mul3A_64 = arith.mulf %convert_element_type3A_62, %mul3A_63 : vector<24x8xf32>
      %reduce_sum3A_65 = arith.constant dense<0.000000e+00> : vector<24xf32>
      %reduce_sum3A_66 = vector.multi_reduction <add>, %mul3A_64, %reduce_sum3A_65 [1] : vector<24x8xf32> to vector<24xf32>
      %broadcast_in_dim3A_67 = vector.shape_cast %reduce_sum3A_66 : vector<24xf32> to vector<24x1xf32>
      %swap3A_68 = arith.constant 0 : index
      %swap3A_69 = arith.constant 0 : index
      %swap3A_70 = vector.load %arg5[%swap3A_68, %swap3A_69] : memref<24x1xi32, #tpu.memory_space<vmem>>, vector<24x1xi32>
      tpu.vector_store %arg5[%swap3A_68, %swap3A_69], %sub3A_57 {strides = array<i32>} : memref<24x1xi32, #tpu.memory_space<vmem>>, vector<24x1xi32>,
      %convert_element_type3A_71 = arith.fptosi %broadcast_in_dim3A_67 : vector<24x1xf32> to vector<24x1xi32>
      %swap3A_72 = arith.constant 0 : index
      %swap3A_73 = arith.constant 0 : index
      %swap3A_74 = vector.load %arg6[%swap3A_72, %swap3A_73] : memref<24x1xi32, #tpu.memory_space<vmem>>, vector<24x1xi32>
      tpu.vector_store %arg6[%swap3A_72, %swap3A_73], %convert_element_type3A_71 {strides = array<i32>} : memref<24x1xi32, #tpu.memory_space<vmem>>, vector<24x1xi32>,
    } else {
    }
    %ge3A_32 = arith.constant 12 : i32
    %ge3A_33 = arith.cmpi sge, %arg0, %ge3A_32 : i32
    %convert_element_type3A_34 = arith.extui %ge3A_33 : i1 to i32
    %cond3A_35 = arith.constant 0 : i32
    %cond3A_36 = arith.cmpi ne, %convert_element_type3A_34, %cond3A_35 : i32
    scf.if %cond3A_36 {
      %get3A = arith.constant 0 : index
      %get3A_37 = arith.constant 0 : index
      %get3A_38 = vector.load %arg15[%get3A, %get3A_37] : memref<1x8xf32, #tpu.memory_space<vmem>>, vector<1x8xf32>
      %eq3A_39 = arith.constant 12 : i32
      %eq3A_40 = arith.cmpi eq, %arg0, %eq3A_39 : i32
      %convert_element_type3A_41 = arith.extui %eq3A_40 : i1 to i32
      %cond3A_42 = arith.constant 0 : i32
      %cond3A_43 = arith.cmpi ne, %convert_element_type3A_41, %cond3A_42 : i32
      scf.if %cond3A_43 {
        %get3A_59 = arith.constant 0 : index
        %get3A_60 = arith.constant 0 : index
        %get3A_61 = vector.load %arg12[%get3A_59, %get3A_60] : memref<2048x1xi32, #tpu.memory_space<vmem>>, vector<512x1xi32>
        %eq3A_62 = vector.broadcast %get3A_61 : vector<512x1xi32> to vector<512x8xi32>
        %eq3A_63 = vector.broadcast %iota3A : vector<1x8xi32> to vector<512x8xi32>
        %eq3A_64 = arith.cmpi eq, %eq3A_62, %eq3A_63 : vector<512x8xi32>
        %convert_element_type3A_65 = arith.extui %eq3A_64 : vector<512x8xi1> to vector<512x8xi32>
        %convert_element_type3A_66 = arith.sitofp %convert_element_type3A_65 : vector<512x8xi32> to vector<512x8xf32>
        %mul3A = vector.broadcast %get3A_38 : vector<1x8xf32> to vector<512x8xf32>
        %mul3A_67 = arith.mulf %convert_element_type3A_66, %mul3A : vector<512x8xf32>
        %reduce_sum3A = arith.constant dense<0.000000e+00> : vector<512xf32>
        %reduce_sum3A_68 = vector.multi_reduction <add>, %mul3A_67, %reduce_sum3A [1] : vector<512x8xf32> to vector<512xf32>
        %broadcast_in_dim3A = vector.shape_cast %reduce_sum3A_68 : vector<512xf32> to vector<512x1xf32>
        %reduce_sum3A_69 = arith.constant dense<0.000000e+00> : vector<512xf32>
        %reduce_sum3A_70 = vector.multi_reduction <add>, %convert_element_type3A_66, %reduce_sum3A_69 [1] : vector<512x8xf32> to vector<512xf32>
        %broadcast_in_dim3A_71 = vector.shape_cast %reduce_sum3A_70 : vector<512xf32> to vector<512x1xf32>
        %gt3A_72 = arith.constant 5.000000e-01 : f32
        %gt3A_73 = vector.broadcast %gt3A_72 : f32 to vector<512x1xf32>
        %gt3A_74 = arith.cmpf ogt, %broadcast_in_dim3A_71, %gt3A_73 : vector<512x1xf32>
        %get3A_75 = arith.constant 0 : index
        %get3A_76 = arith.constant 0 : index
        %get3A_77 = vector.load %arg14[%get3A_75, %get3A_76] : memref<512x4xf32, #tpu.memory_space<vmem>>, vector<512x1xf32>
        %add3A = arith.addf %broadcast_in_dim3A, %get3A_77 : vector<512x1xf32>
        %convert_element_type3A_78 = arith.fptosi %add3A : vector<512x1xf32> to vector<512x1xi32>
        %jit3A = arith.constant 3071 : i32
        %broadcast_in_dim3A_79 = vector.broadcast %jit3A : i32 to vector<512x1xi32>
        %select_n3A = arith.select %gt3A_74, %convert_element_type3A_78, %broadcast_in_dim3A_79 : vector<512x1xi1>, vector<512x1xi32>
        %swap3A = arith.constant 0 : index
        %swap3A_80 = arith.constant 0 : index
        %swap3A_81 = arith.constant 0 : index
        %swap3A_82 = vector.load %arg4[%swap3A, %swap3A_80, %swap3A_81] : memref<1x512x1xi32, #tpu.memory_space<vmem>>, vector<1x512x1xi32>
        %swap3A_83 = vector.shape_cast %swap3A_82 : vector<1x512x1xi32> to vector<512x1xi32>
        %swap3A_84 = vector.shape_cast %select_n3A : vector<512x1xi32> to vector<1x512x1xi32>
        tpu.vector_store %arg4[%swap3A, %swap3A_80, %swap3A_81], %swap3A_84 {strides = array<i32>} : memref<1x512x1xi32, #tpu.memory_space<vmem>>, vector<1x512x1xi32>,
      } else {
      }
      %eq3A_44 = arith.constant 13 : i32
      %eq3A_45 = arith.cmpi eq, %arg0, %eq3A_44 : i32
      %convert_element_type3A_46 = arith.extui %eq3A_45 : i1 to i32
      %cond3A_47 = arith.constant 0 : i32
      %cond3A_48 = arith.cmpi ne, %convert_element_type3A_46, %cond3A_47 : i32
      scf.if %cond3A_48 {
        %get3A_59 = arith.constant 512 : index
        %get3A_60 = arith.constant 0 : index
        %get3A_61 = vector.load %arg12[%get3A_59, %get3A_60] : memref<2048x1xi32, #tpu.memory_space<vmem>>, vector<512x1xi32>
        %eq3A_62 = vector.broadcast %get3A_61 : vector<512x1xi32> to vector<512x8xi32>
        %eq3A_63 = vector.broadcast %iota3A : vector<1x8xi32> to vector<512x8xi32>
        %eq3A_64 = arith.cmpi eq, %eq3A_62, %eq3A_63 : vector<512x8xi32>
        %convert_element_type3A_65 = arith.extui %eq3A_64 : vector<512x8xi1> to vector<512x8xi32>
        %convert_element_type3A_66 = arith.sitofp %convert_element_type3A_65 : vector<512x8xi32> to vector<512x8xf32>
        %mul3A = vector.broadcast %get3A_38 : vector<1x8xf32> to vector<512x8xf32>
        %mul3A_67 = arith.mulf %convert_element_type3A_66, %mul3A : vector<512x8xf32>
        %reduce_sum3A = arith.constant dense<0.000000e+00> : vector<512xf32>
        %reduce_sum3A_68 = vector.multi_reduction <add>, %mul3A_67, %reduce_sum3A [1] : vector<512x8xf32> to vector<512xf32>
        %broadcast_in_dim3A = vector.shape_cast %reduce_sum3A_68 : vector<512xf32> to vector<512x1xf32>
        %reduce_sum3A_69 = arith.constant dense<0.000000e+00> : vector<512xf32>
        %reduce_sum3A_70 = vector.multi_reduction <add>, %convert_element_type3A_66, %reduce_sum3A_69 [1] : vector<512x8xf32> to vector<512xf32>
        %broadcast_in_dim3A_71 = vector.shape_cast %reduce_sum3A_70 : vector<512xf32> to vector<512x1xf32>
        %gt3A_72 = arith.constant 5.000000e-01 : f32
        %gt3A_73 = vector.broadcast %gt3A_72 : f32 to vector<512x1xf32>
        %gt3A_74 = arith.cmpf ogt, %broadcast_in_dim3A_71, %gt3A_73 : vector<512x1xf32>
        %get3A_75 = arith.constant 0 : index
        %get3A_76 = arith.constant 1 : index
        %get3A_77 = vector.load %arg14[%get3A_75, %get3A_76] : memref<512x4xf32, #tpu.memory_space<vmem>>, vector<512x1xf32>
        %add3A = arith.addf %broadcast_in_dim3A, %get3A_77 : vector<512x1xf32>
        %convert_element_type3A_78 = arith.fptosi %add3A : vector<512x1xf32> to vector<512x1xi32>
        %jit3A = arith.constant 3071 : i32
        %broadcast_in_dim3A_79 = vector.broadcast %jit3A : i32 to vector<512x1xi32>
        %select_n3A = arith.select %gt3A_74, %convert_element_type3A_78, %broadcast_in_dim3A_79 : vector<512x1xi1>, vector<512x1xi32>
        %swap3A = arith.constant 0 : index
        %swap3A_80 = arith.constant 0 : index
        %swap3A_81 = arith.constant 0 : index
        %swap3A_82 = vector.load %arg4[%swap3A, %swap3A_80, %swap3A_81] : memref<1x512x1xi32, #tpu.memory_space<vmem>>, vector<1x512x1xi32>
        %swap3A_83 = vector.shape_cast %swap3A_82 : vector<1x512x1xi32> to vector<512x1xi32>
        %swap3A_84 = vector.shape_cast %select_n3A : vector<512x1xi32> to vector<1x512x1xi32>
        tpu.vector_store %arg4[%swap3A, %swap3A_80, %swap3A_81], %swap3A_84 {strides = array<i32>} : memref<1x512x1xi32, #tpu.memory_space<vmem>>, vector<1x512x1xi32>,
      } else {
      }
      %eq3A_49 = arith.constant 14 : i32
      %eq3A_50 = arith.cmpi eq, %arg0, %eq3A_49 : i32
      %convert_element_type3A_51 = arith.extui %eq3A_50 : i1 to i32
      %cond3A_52 = arith.constant 0 : i32
      %cond3A_53 = arith.cmpi ne, %convert_element_type3A_51, %cond3A_52 : i32
      scf.if %cond3A_53 {
        %get3A_59 = arith.constant 1024 : index
        %get3A_60 = arith.constant 0 : index
        %get3A_61 = vector.load %arg12[%get3A_59, %get3A_60] : memref<2048x1xi32, #tpu.memory_space<vmem>>, vector<512x1xi32>
        %eq3A_62 = vector.broadcast %get3A_61 : vector<512x1xi32> to vector<512x8xi32>
        %eq3A_63 = vector.broadcast %iota3A : vector<1x8xi32> to vector<512x8xi32>
        %eq3A_64 = arith.cmpi eq, %eq3A_62, %eq3A_63 : vector<512x8xi32>
        %convert_element_type3A_65 = arith.extui %eq3A_64 : vector<512x8xi1> to vector<512x8xi32>
        %convert_element_type3A_66 = arith.sitofp %convert_element_type3A_65 : vector<512x8xi32> to vector<512x8xf32>
        %mul3A = vector.broadcast %get3A_38 : vector<1x8xf32> to vector<512x8xf32>
        %mul3A_67 = arith.mulf %convert_element_type3A_66, %mul3A : vector<512x8xf32>
        %reduce_sum3A = arith.constant dense<0.000000e+00> : vector<512xf32>
        %reduce_sum3A_68 = vector.multi_reduction <add>, %mul3A_67, %reduce_sum3A [1] : vector<512x8xf32> to vector<512xf32>
        %broadcast_in_dim3A = vector.shape_cast %reduce_sum3A_68 : vector<512xf32> to vector<512x1xf32>
        %reduce_sum3A_69 = arith.constant dense<0.000000e+00> : vector<512xf32>
        %reduce_sum3A_70 = vector.multi_reduction <add>, %convert_element_type3A_66, %reduce_sum3A_69 [1] : vector<512x8xf32> to vector<512xf32>
        %broadcast_in_dim3A_71 = vector.shape_cast %reduce_sum3A_70 : vector<512xf32> to vector<512x1xf32>
        %gt3A_72 = arith.constant 5.000000e-01 : f32
        %gt3A_73 = vector.broadcast %gt3A_72 : f32 to vector<512x1xf32>
        %gt3A_74 = arith.cmpf ogt, %broadcast_in_dim3A_71, %gt3A_73 : vector<512x1xf32>
        %get3A_75 = arith.constant 0 : index
        %get3A_76 = arith.constant 2 : index
        %get3A_77 = vector.load %arg14[%get3A_75, %get3A_76] : memref<512x4xf32, #tpu.memory_space<vmem>>, vector<512x1xf32>
        %add3A = arith.addf %broadcast_in_dim3A, %get3A_77 : vector<512x1xf32>
        %convert_element_type3A_78 = arith.fptosi %add3A : vector<512x1xf32> to vector<512x1xi32>
        %jit3A = arith.constant 3071 : i32
        %broadcast_in_dim3A_79 = vector.broadcast %jit3A : i32 to vector<512x1xi32>
        %select_n3A = arith.select %gt3A_74, %convert_element_type3A_78, %broadcast_in_dim3A_79 : vector<512x1xi1>, vector<512x1xi32>
        %swap3A = arith.constant 0 : index
        %swap3A_80 = arith.constant 0 : index
        %swap3A_81 = arith.constant 0 : index
        %swap3A_82 = vector.load %arg4[%swap3A, %swap3A_80, %swap3A_81] : memref<1x512x1xi32, #tpu.memory_space<vmem>>, vector<1x512x1xi32>
        %swap3A_83 = vector.shape_cast %swap3A_82 : vector<1x512x1xi32> to vector<512x1xi32>
        %swap3A_84 = vector.shape_cast %select_n3A : vector<512x1xi32> to vector<1x512x1xi32>
        tpu.vector_store %arg4[%swap3A, %swap3A_80, %swap3A_81], %swap3A_84 {strides = array<i32>} : memref<1x512x1xi32, #tpu.memory_space<vmem>>, vector<1x512x1xi32>,
      } else {
      }
      %eq3A_54 = arith.constant 15 : i32
      %eq3A_55 = arith.cmpi eq, %arg0, %eq3A_54 : i32
      %convert_element_type3A_56 = arith.extui %eq3A_55 : i1 to i32
      %cond3A_57 = arith.constant 0 : i32
      %cond3A_58 = arith.cmpi ne, %convert_element_type3A_56, %cond3A_57 : i32
      scf.if %cond3A_58 {
        %get3A_59 = arith.constant 1536 : index
        %get3A_60 = arith.constant 0 : index
        %get3A_61 = vector.load %arg12[%get3A_59, %get3A_60] : memref<2048x1xi32, #tpu.memory_space<vmem>>, vector<512x1xi32>
        %eq3A_62 = vector.broadcast %get3A_61 : vector<512x1xi32> to vector<512x8xi32>
        %eq3A_63 = vector.broadcast %iota3A : vector<1x8xi32> to vector<512x8xi32>
        %eq3A_64 = arith.cmpi eq, %eq3A_62, %eq3A_63 : vector<512x8xi32>
        %convert_element_type3A_65 = arith.extui %eq3A_64 : vector<512x8xi1> to vector<512x8xi32>
        %convert_element_type3A_66 = arith.sitofp %convert_element_type3A_65 : vector<512x8xi32> to vector<512x8xf32>
        %mul3A = vector.broadcast %get3A_38 : vector<1x8xf32> to vector<512x8xf32>
        %mul3A_67 = arith.mulf %convert_element_type3A_66, %mul3A : vector<512x8xf32>
        %reduce_sum3A = arith.constant dense<0.000000e+00> : vector<512xf32>
        %reduce_sum3A_68 = vector.multi_reduction <add>, %mul3A_67, %reduce_sum3A [1] : vector<512x8xf32> to vector<512xf32>
        %broadcast_in_dim3A = vector.shape_cast %reduce_sum3A_68 : vector<512xf32> to vector<512x1xf32>
        %reduce_sum3A_69 = arith.constant dense<0.000000e+00> : vector<512xf32>
        %reduce_sum3A_70 = vector.multi_reduction <add>, %convert_element_type3A_66, %reduce_sum3A_69 [1] : vector<512x8xf32> to vector<512xf32>
        %broadcast_in_dim3A_71 = vector.shape_cast %reduce_sum3A_70 : vector<512xf32> to vector<512x1xf32>
        %gt3A_72 = arith.constant 5.000000e-01 : f32
        %gt3A_73 = vector.broadcast %gt3A_72 : f32 to vector<512x1xf32>
        %gt3A_74 = arith.cmpf ogt, %broadcast_in_dim3A_71, %gt3A_73 : vector<512x1xf32>
        %get3A_75 = arith.constant 0 : index
        %get3A_76 = arith.constant 3 : index
        %get3A_77 = vector.load %arg14[%get3A_75, %get3A_76] : memref<512x4xf32, #tpu.memory_space<vmem>>, vector<512x1xf32>
        %add3A = arith.addf %broadcast_in_dim3A, %get3A_77 : vector<512x1xf32>
        %convert_element_type3A_78 = arith.fptosi %add3A : vector<512x1xf32> to vector<512x1xi32>
        %jit3A = arith.constant 3071 : i32
        %broadcast_in_dim3A_79 = vector.broadcast %jit3A : i32 to vector<512x1xi32>
        %select_n3A = arith.select %gt3A_74, %convert_element_type3A_78, %broadcast_in_dim3A_79 : vector<512x1xi1>, vector<512x1xi32>
        %swap3A = arith.constant 0 : index
        %swap3A_80 = arith.constant 0 : index
        %swap3A_81 = arith.constant 0 : index
        %swap3A_82 = vector.load %arg4[%swap3A, %swap3A_80, %swap3A_81] : memref<1x512x1xi32, #tpu.memory_space<vmem>>, vector<1x512x1xi32>
        %swap3A_83 = vector.shape_cast %swap3A_82 : vector<1x512x1xi32> to vector<512x1xi32>
        %swap3A_84 = vector.shape_cast %select_n3A : vector<512x1xi32> to vector<1x512x1xi32>
        tpu.vector_store %arg4[%swap3A, %swap3A_80, %swap3A_81], %swap3A_84 {strides = array<i32>} : memref<1x512x1xi32, #tpu.memory_space<vmem>>, vector<1x512x1xi32>,
      } else {
      }
    } else {
    }
    return
  }
  func.func @transform_0(%arg0: i32) -> (i32, i32) {
    %min3A = arith.constant 7 : i32
    %min3A_0 = arith.minsi %arg0, %min3A : i32
    %c0_i32 = arith.constant 0 : i32
    %c0_i32_1 = arith.constant 0 : i32
    return %min3A_0, %c0_i32 : i32, i32
  }
  func.func @transform_1(%arg0: i32) -> (i32, i32) {
    %c0_i32 = arith.constant 0 : i32
    %c0_i32_0 = arith.constant 0 : i32
    %c0_i32_1 = arith.constant 0 : i32
    return %c0_i32, %c0_i32_0 : i32, i32
  }
  func.func @transform_2(%arg0: i32) -> (i32, i32) {
    %c0_i32 = arith.constant 0 : i32
    %c0_i32_0 = arith.constant 0 : i32
    %c0_i32_1 = arith.constant 0 : i32
    return %c0_i32, %c0_i32_0 : i32, i32
  }
  func.func @transform_3(%arg0: i32) -> (i32, i32, i32) {
    %sub3A = arith.constant 12 : i32
    %sub3A_0 = arith.subi %arg0, %sub3A : i32
    %max3A = arith.constant 0 : i32
    %max3A_1 = arith.maxsi %sub3A_0, %max3A : i32
    %c0_i32 = arith.constant 0 : i32
    %c0_i32_2 = arith.constant 0 : i32
    %c0_i32_3 = arith.constant 0 : i32
    return %max3A_1, %c0_i32, %c0_i32_2 : i32, i32, i32
  }
  func.func @transform_4(%arg0: i32) -> (i32, i32) {
    %c0_i32 = arith.constant 0 : i32
    %c0_i32_0 = arith.constant 0 : i32
    %c0_i32_1 = arith.constant 0 : i32
    return %c0_i32, %c0_i32_0 : i32, i32
  }
  func.func @transform_5(%arg0: i32) -> (i32, i32) {
    %c0_i32 = arith.constant 0 : i32
    %c0_i32_0 = arith.constant 0 : i32
    %c0_i32_1 = arith.constant 0 : i32
    return %c0_i32, %c0_i32_0 : i32, i32
  }
  func.func @transform_6(%arg0: i32) -> (i32, i32) {
    %c0_i32 = arith.constant 0 : i32
    %c0_i32_0 = arith.constant 0 : i32
    %c0_i32_1 = arith.constant 0 : i32
    return %c0_i32, %c0_i32_0 : i32, i32
  }
  func.func @transform_7(%arg0: i32) -> (i32, i32) {
    %c0_i32 = arith.constant 0 : i32
    %c0_i32_0 = arith.constant 0 : i32
    %c0_i32_1 = arith.constant 0 : i32
    return %c0_i32, %c0_i32_0 : i32, i32
  }
}

module attributes {stable_mosaic.version = 14 : i64} {
  func.func @_gffn_body(%arg0: i32, %arg1: memref<24xi32, #tpu.memory_space<smem>>, %arg2: memref<24xi32, #tpu.memory_space<smem>>, %arg3: memref<128x1024xf32, #tpu.memory_space<vmem>>, %arg4: memref<1x1024x1024xf32, #tpu.memory_space<vmem>>, %arg5: memref<1x1x1024xf32, #tpu.memory_space<vmem>>, %arg6: memref<1x1024x1024xf32, #tpu.memory_space<vmem>>, %arg7: memref<1x1x1024xf32, #tpu.memory_space<vmem>>, %arg8: memref<128x1024xf32, #tpu.memory_space<vmem>>) attributes {dimension_semantics = [#tpu.dimension_semantics<arbitrary>], iteration_bounds = array<i64: 24>, scalar_prefetch = 2 : i64, scratch_operands = 0 : i64, tpu.core_type = #tpu.core_type<tc>, window_params = [{transform_indices = @transform_0, window_bounds = array<i64: 128, 1024>}, {transform_indices = @transform_1, window_bounds = array<i64: 1, 1024, 1024>}, {transform_indices = @transform_2, window_bounds = array<i64: 1, 1, 1024>}, {transform_indices = @transform_3, window_bounds = array<i64: 1, 1024, 1024>}, {transform_indices = @transform_4, window_bounds = array<i64: 1, 1, 1024>}, {transform_indices = @transform_5, window_bounds = array<i64: 128, 1024>}]} {
    %get3A = arith.constant 0 : index
    %get3A_0 = arith.constant 0 : index
    %get3A_1 = vector.load %arg3[%get3A, %get3A_0] : memref<128x1024xf32, #tpu.memory_space<vmem>>, vector<128x1024xf32>
    %convert_element_type3A = arith.truncf %get3A_1 : vector<128x1024xf32> to vector<128x1024xbf16>
    %get3A_2 = arith.constant 0 : index
    %get3A_3 = arith.constant 0 : index
    %get3A_4 = arith.constant 0 : index
    %get3A_5 = vector.load %arg4[%get3A_2, %get3A_3, %get3A_4] : memref<1x1024x1024xf32, #tpu.memory_space<vmem>>, vector<1x1024x1024xf32>
    %get3A_6 = vector.shape_cast %get3A_5 : vector<1x1024x1024xf32> to vector<1024x1024xf32>
    %convert_element_type3A_7 = arith.truncf %get3A_6 : vector<1024x1024xf32> to vector<1024x1024xbf16>
    %dot_general3A = arith.constant dense<0.000000e+00> : vector<128x1024xf32>
    %dot_general3A_8 = tpu.matmul %convert_element_type3A, %convert_element_type3A_7, %dot_general3A {dimension_numbers = #tpu.dot_dimension_numbers<[1], [0], [0], [1], [0, 0, 1, 1], [], []>, transpose_lhs_hint = false} : vector<128x1024xbf16>, vector<1024x1024xbf16>, vector<128x1024xf32> -> vector<128x1024xf32>
    %get3A_9 = arith.constant 0 : index
    %get3A_10 = arith.constant 0 : index
    %get3A_11 = arith.constant 0 : index
    %get3A_12 = vector.load %arg5[%get3A_9, %get3A_10, %get3A_11] : memref<1x1x1024xf32, #tpu.memory_space<vmem>>, vector<1x1x1024xf32>
    %get3A_13 = vector.shape_cast %get3A_12 : vector<1x1x1024xf32> to vector<1x1024xf32>
    %add3A = vector.broadcast %get3A_13 : vector<1x1024xf32> to vector<128x1024xf32>
    %add3A_14 = arith.addf %dot_general3A_8, %add3A : vector<128x1024xf32>
    %max3A = arith.constant 0.000000e+00 : f32
    %max3A_15 = vector.broadcast %max3A : f32 to vector<128x1024xf32>
    %max3A_16 = arith.maximumf %add3A_14, %max3A_15 : vector<128x1024xf32>
    %get3A_17 = arith.constant 0 : index
    %get3A_18 = arith.constant 0 : index
    %get3A_19 = arith.constant 0 : index
    %get3A_20 = vector.load %arg6[%get3A_17, %get3A_18, %get3A_19] : memref<1x1024x1024xf32, #tpu.memory_space<vmem>>, vector<1x1024x1024xf32>
    %get3A_21 = vector.shape_cast %get3A_20 : vector<1x1024x1024xf32> to vector<1024x1024xf32>
    %convert_element_type3A_22 = arith.truncf %get3A_21 : vector<1024x1024xf32> to vector<1024x1024xbf16>
    %convert_element_type3A_23 = arith.truncf %max3A_16 : vector<128x1024xf32> to vector<128x1024xbf16>
    %dot_general3A_24 = arith.constant dense<0.000000e+00> : vector<128x1024xf32>
    %dot_general3A_25 = tpu.matmul %convert_element_type3A_23, %convert_element_type3A_22, %dot_general3A_24 {dimension_numbers = #tpu.dot_dimension_numbers<[1], [0], [0], [1], [0, 0, 1, 1], [], []>, transpose_lhs_hint = false} : vector<128x1024xbf16>, vector<1024x1024xbf16>, vector<128x1024xf32> -> vector<128x1024xf32>
    %get3A_26 = arith.constant 0 : index
    %get3A_27 = arith.constant 0 : index
    %get3A_28 = arith.constant 0 : index
    %get3A_29 = vector.load %arg7[%get3A_26, %get3A_27, %get3A_28] : memref<1x1x1024xf32, #tpu.memory_space<vmem>>, vector<1x1x1024xf32>
    %get3A_30 = vector.shape_cast %get3A_29 : vector<1x1x1024xf32> to vector<1x1024xf32>
    %add3A_31 = vector.broadcast %get3A_30 : vector<1x1024xf32> to vector<128x1024xf32>
    %add3A_32 = arith.addf %dot_general3A_25, %add3A_31 : vector<128x1024xf32>
    %iota3A = tpu.iota {dimensions = array<i32: 0>} : vector<128x1024xi32>
    %mul3A = arith.constant 128 : i32
    %mul3A_33 = arith.muli %arg0, %mul3A : i32
    %add3A_34 = vector.broadcast %mul3A_33 : i32 to vector<128x1024xi32>
    %add3A_35 = arith.addi %iota3A, %add3A_34 : vector<128x1024xi32>
    %get3A_36 = arith.index_cast %arg0 : i32 to index
    %get3A_37 = memref.load %arg2[%get3A_36] : memref<24xi32, #tpu.memory_space<smem>>
    %lt3A = vector.broadcast %get3A_37 : i32 to vector<128x1024xi32>
    %lt3A_38 = arith.cmpi slt, %add3A_35, %lt3A : vector<128x1024xi32>
    %jit3A = arith.constant 0.000000e+00 : f32
    %broadcast_in_dim3A = vector.broadcast %jit3A : f32 to vector<128x1024xf32>
    %select_n3A = arith.select %lt3A_38, %add3A_32, %broadcast_in_dim3A : vector<128x1024xi1>, vector<128x1024xf32>
    %swap3A = arith.constant 0 : index
    %swap3A_39 = arith.constant 0 : index
    %swap3A_40 = vector.load %arg8[%swap3A, %swap3A_39] : memref<128x1024xf32, #tpu.memory_space<vmem>>, vector<128x1024xf32>
    tpu.vector_store %arg8[%swap3A, %swap3A_39], %select_n3A {strides = array<i32>} : memref<128x1024xf32, #tpu.memory_space<vmem>>, vector<128x1024xf32>,
    return
  }
  func.func @transform_0(%arg0: i32, %arg1: memref<24xi32, #tpu.memory_space<smem>>, %arg2: memref<24xi32, #tpu.memory_space<smem>>) -> (i32, i32) {
    %c0_i32 = arith.constant 0 : i32
    %c0_i32_0 = arith.constant 0 : i32
    return %arg0, %c0_i32 : i32, i32
  }
  func.func @transform_1(%arg0: i32, %arg1: memref<24xi32, #tpu.memory_space<smem>>, %arg2: memref<24xi32, #tpu.memory_space<smem>>) -> (i32, i32, i32) {
    %get3A = arith.index_cast %arg0 : i32 to index
    %get3A_0 = memref.load %arg1[%get3A] : memref<24xi32, #tpu.memory_space<smem>>
    %c0_i32 = arith.constant 0 : i32
    %c0_i32_1 = arith.constant 0 : i32
    %c0_i32_2 = arith.constant 0 : i32
    return %get3A_0, %c0_i32, %c0_i32_1 : i32, i32, i32
  }
  func.func @transform_2(%arg0: i32, %arg1: memref<24xi32, #tpu.memory_space<smem>>, %arg2: memref<24xi32, #tpu.memory_space<smem>>) -> (i32, i32, i32) {
    %get3A = arith.index_cast %arg0 : i32 to index
    %get3A_0 = memref.load %arg1[%get3A] : memref<24xi32, #tpu.memory_space<smem>>
    %c0_i32 = arith.constant 0 : i32
    %c0_i32_1 = arith.constant 0 : i32
    %c0_i32_2 = arith.constant 0 : i32
    return %get3A_0, %c0_i32, %c0_i32_1 : i32, i32, i32
  }
  func.func @transform_3(%arg0: i32, %arg1: memref<24xi32, #tpu.memory_space<smem>>, %arg2: memref<24xi32, #tpu.memory_space<smem>>) -> (i32, i32, i32) {
    %get3A = arith.index_cast %arg0 : i32 to index
    %get3A_0 = memref.load %arg1[%get3A] : memref<24xi32, #tpu.memory_space<smem>>
    %c0_i32 = arith.constant 0 : i32
    %c0_i32_1 = arith.constant 0 : i32
    %c0_i32_2 = arith.constant 0 : i32
    return %get3A_0, %c0_i32, %c0_i32_1 : i32, i32, i32
  }
  func.func @transform_4(%arg0: i32, %arg1: memref<24xi32, #tpu.memory_space<smem>>, %arg2: memref<24xi32, #tpu.memory_space<smem>>) -> (i32, i32, i32) {
    %get3A = arith.index_cast %arg0 : i32 to index
    %get3A_0 = memref.load %arg1[%get3A] : memref<24xi32, #tpu.memory_space<smem>>
    %c0_i32 = arith.constant 0 : i32
    %c0_i32_1 = arith.constant 0 : i32
    %c0_i32_2 = arith.constant 0 : i32
    return %get3A_0, %c0_i32, %c0_i32_1 : i32, i32, i32
  }
  func.func @transform_5(%arg0: i32, %arg1: memref<24xi32, #tpu.memory_space<smem>>, %arg2: memref<24xi32, #tpu.memory_space<smem>>) -> (i32, i32) {
    %c0_i32 = arith.constant 0 : i32
    %c0_i32_0 = arith.constant 0 : i32
    return %arg0, %c0_i32 : i32, i32
  }
}

</mosaic_0001>

<sc_bundles>
// kernel: kernel.6.cloned.1.call-start
scs
__scs_entry_jumppad:
0x0: {  	(pc) =	sbr.rel $0x88, $3  }
0x1: {  	(tag) =	ssettag $0x0;
	lr =	simm.s32 $0x1  }
0x2: {  	[smem:$0x3F9A] =	sst lr;
	_ =	strace $0xD0000000  }
0x3: {  	_ = 	snop  }
0x4: {  	_ = 	snop  }
0x5: {  	_ = 	snop  }
0x6: {  	_ = 	snop  }
0x7: {  	_ = 	snop  }
__scs_overlays_trampoline_lowered:
0x8: {  	[smem:$0x3FA9] =	sst s0  }
0x9: {  	[smem:$0x3FAA] =	sst s1  }
0xa: {  	[smem:$0x3FAB] =	sst s2  }
0xb: {  	[smem:$0x3FAC] =	sst s3  }
0xc: {  	[smem:$0x3FAD] =	sst s4  }
0xd: {  	[smem:$0x3FAE] =	sst s5  }
0xe: {  	[smem:$0x3FAF] =	sst s6  }
0xf: {  	[smem:$0x3FB0] =	sst s7  }
0x10: {  	[smem:$0x3FB1] =	sst s8  }
0x11: {  	[smem:$0x3FB2] =	sst s9;
	s0 =	simm.s32 @!p0 $0x0  }
0x12: {  	s1 =	sld [smem:$0x3F98];
	s0 =	simm.s32 @p0 $0x1  }
0x13: {  	[smem:$0x3FB3] =	sst s0;
	s0 =	simm.s32 @!p1 $0x0  }
0x14: {  	s2 =	sld [smem:$0x3F97];
	s0 =	simm.s32 @p1 $0x1  }
0x15: {  	[smem:$0x3FB4] =	sst s0;
	s0 =	simm.s32 @!p2 $0x0  }
0x16: {  	s3 =	sld [smem:$0x3FDB];
	s0 =	simm.s32 @p2 $0x1  }
0x17: {  	s4 =	simm.s32 $0x1BF5;
	[smem:$0x3FB6] =	sst s0  }
0x18: {  	s0 =	sld [smem:$0x3F99];
	_ =	swait.ge [sflag:s4], $0x0  }
0x19: {  	s7 =	sld [smem:$0x3F9A]  }
0x1a: {  	s8 =	sadd.s32 $0xFFFFE003, lr  }
0x1b: {  	s9 =	sadd.s32 $0xFFFFFEF7, lr;
	s5 =	simm.s32 $0xFFFFFFFF;
	p2 =	slt.u32 s8, $0xFFFFF086  }
0x1c: {  	p1 =	slt.u32 s9, $0xF7A;
	s5 =	simm.s32 @!p2 $0x0  }
0x1d: {  	s5 =	simm.s32 @p1 $0x1;
	p0 =	seq.s32 s7, s2  }
0x1e: {  	s7 =	smul.u32 @!p0 $0xF7A, s2;
	p2 =	seq.s32 @!p0 s5, $0x0  }
0x1f: {  	s9 =	smul.u32 $0xF7A, s1;
	s8 =	simm.s32 @!p0 $0x1BF5;
	p2 =	por !p2, p0  }
0x20: {  	[sflag:s8] =	ssyncset.s32 @!p0 $0xFFFFF086;
	s6 =	sadd.s32 @!p0 s3, s7;
	s7 =	simm.s32 @!p0 $0x108  }
0x21: {  	s3 =	sadd.s32 s3, s9;
	s6 =	sadd.s32 @!p0 $0x88, s6;
	s7 =	simm.s32 @p2 $0x1082  }
0x22: {  	[simem:s7], [sflag:s8] =	dma.local @!p0 [hbm:s6], $0xF7A  }
0x23: {  	s9 =	sor.u32 $0xD0000000, s2;
	s6 =	simm.s32 $0x108;
	_ =	swait.ge @!p0 [sflag:s8], $0x0  }
0x24: {  	s3 =	sadd.s32 $0x88, s3;
	s6 =	simm.s32 @!p1 $0x1082;
	[sflag:s4] =	ssyncset.s32 $0xFFFFF086  }
0x25: {  	[simem:s6], [sflag:s4] =	dma.local [hbm:s3], $0xF7A  }
0x26: {  	[smem:$0x3F9A] =	sst s1;
	(tag) =	ssettag s2;
	_ =	strace s9  }
0x27: {  	s1 =	sld [smem:$0x3FAA]  }
0x28: {  	s2 =	sld [smem:$0x3FAB]  }
0x29: {  	s4 =	sld [smem:$0x3FAD]  }
0x2a: {  	p0 =	seq.s32 s5, $0x0;
	s5 =	sld [smem:$0x3FAE]  }
0x2b: {  	s6 =	sld [smem:$0x3FAF]  }
0x2c: {  	s7 =	sld [smem:$0x3FB0]  }
0x2d: {  	s3 =	simm.s32 $0x108;
	s8 =	sld [smem:$0x3FB1]  }
0x2e: {  	s3 =	simm.s32 @!p0 $0x1082;
	s9 =	sld [smem:$0x3FB2]  }
0x2f: {  	lr =	sadd.s32 s0, s3;
	s0 =	sld [smem:$0x3FA9]  }
0x30: {  	s3 =	sld [smem:$0x3FAC]  }
0x31: {  	[smem:$0x3FB5] =	sst s10  }
0x32: {  	s10 =	sld [smem:$0x3FB3];
	_ =	sdelay $0x3  }
0x33: {  	p0 =	seq.s32 s10, $0x1;
	s10 =	sld [smem:$0x3FB5];
	_ =	sdelay $0x3  }
0x34: {  	[smem:$0x3FB5] =	sst s10  }
0x35: {  	s10 =	sld [smem:$0x3FB4];
	_ =	sdelay $0x3  }
0x36: {  	p1 =	seq.s32 s10, $0x1;
	s10 =	sld [smem:$0x3FB5];
	_ =	sdelay $0x3  }
0x37: {  	[smem:$0x3FB5] =	sst s10  }
0x38: {  	s10 =	sld [smem:$0x3FB6]  }
0x39: {  	_ = 	snop;
	(pc) =	sbr.ind lr, $3  }
0x3a: {  	_ = 	snop  }
0x3b: {  	_ = 	snop  }
0x3c: {  	p2 =	seq.s32 s10, $0x1;
	s10 =	sld [smem:$0x3FB5]  }
0x3d: {  	_ =	shalt  }
0x3e: {  	_ =	shalt  }
0x3f: {  	_ =	shalt  }
0x40: {  	_ =	shalt  }
0x41: {  	_ =	shalt  }
0x42: {  	_ =	shalt  }
0x43: {  	_ =	shalt  }
0x44: {  	_ =	shalt  }
0x45: {  	_ =	shalt  }
0x46: {  	_ =	shalt  }
0x47: {  	_ =	shalt  }
0x48: {  	_ =	shalt  }
0x49: {  	_ =	shalt  }
0x4a: {  	_ =	shalt  }
0x4b: {  	_ =	shalt  }
0x4c: {  	_ =	shalt  }
0x4d: {  	_ =	shalt  }
0x4e: {  	_ =	shalt  }
0x4f: {  	_ =	shalt  }
0x50: {  	_ =	shalt  }
0x51: {  	_ =	shalt  }
0x52: {  	_ =	shalt  }
0x53: {  	_ =	shalt  }
0x54: {  	_ =	shalt  }
0x55: {  	_ =	shalt  }
0x56: {  	_ =	shalt  }
0x57: {  	_ =	shalt  }
0x58: {  	_ =	shalt  }
0x59: {  	_ =	shalt  }
0x5a: {  	_ =	shalt  }
0x5b: {  	_ =	shalt  }
0x5c: {  	_ =	shalt  }
0x5d: {  	_ =	shalt  }
0x5e: {  	_ =	shalt  }
0x5f: {  	_ =	shalt  }
0x60: {  	_ =	shalt  }
0x61: {  	_ =	shalt  }
0x62: {  	_ =	shalt  }
0x63: {  	_ =	shalt  }
0x64: {  	_ =	shalt  }
0x65: {  	_ =	shalt  }
0x66: {  	_ =	shalt  }
0x67: {  	_ =	shalt  }
0x68: {  	_ =	shalt  }
0x69: {  	_ =	shalt  }
0x6a: {  	_ =	shalt  }
0x6b: {  	_ =	shalt  }
0x6c: {  	_ =	shalt  }
0x6d: {  	_ =	shalt  }
0x6e: {  	_ =	shalt  }
0x6f: {  	_ =	shalt  }
0x70: {  	_ =	shalt  }
0x71: {  	_ =	shalt  }
0x72: {  	_ =	shalt  }
0x73: {  	_ =	shalt  }
0x74: {  	_ =	shalt  }
0x75: {  	_ =	shalt  }
0x76: {  	_ =	shalt  }
0x77: {  	_ =	shalt  }
0x78: {  	_ =	shalt  }
0x79: {  	_ =	shalt  }
0x7a: {  	_ =	shalt  }
0x7b: {  	_ =	shalt  }
0x7c: {  	_ =	shalt  }
0x7d: {  	_ =	shalt  }
0x7e: {  	_ =	shalt  }
0x7f: {  	_ =	shalt  }
0x80: {  	_ =	shalt  }
0x81: {  	_ =	shalt  }
0x82: {  	_ =	shalt  }
0x83: {  	_ =	shalt  }
0x84: {  	_ =	shalt  }
0x85: {  	_ =	shalt  }
0x86: {  	_ =	shalt  }
0x87: {  	_ =	shalt  }
.Lfunc_end0:
.L_simem_size_0:
called_computation_lowered:
.L_overlay_start_0:
0x88: {  	s2 =	sld [smem:$0x3FD9]  }
0x89: {  	s3 =	sld [smem:$0x3FFE];
	_ =	sdelay $0x1  }
0x8a: {  	s1 =	srdreg.scid  }
0x8b: {  	s0 =	sand.u32 $0x1, s1  }
0x8c: {  	s14 =	sshll.u32 s0, $0xA;
	s2 =	sadd.s32 s3, s2  }
0x8d: {  	s2 =	sadd.s32 s2, s14  }
0x8e: {  	[smem:$0x3FC1] =	sst s2  }
0x8f: {  	_ = 	snop  }
0x90: {  	s2 =	sld [smem:$0x3FD0];
	_ =	sdelay $0x2  }
0x91: {  	s15 =	simm.s32 $0xA;
	s4 =	simm.s32 $0x10  }
0x92: {  	[smem:s4], [sflag:s15] =	dma.local [hbm:s2], $0x1  }
0x93: {  	_ =	swait.eq [sflag:s15], $0x1  }
0x94: {  	[sflag:s15] =	ssyncset.done $0x0  }
0x95: {  	[sflag:s15] =	ssyncadd.s32 $0xFFFFFFFF  }
0x96: {  	s16 =	sld [smem:$0x10];
	(tm) =	ssettm $0x1  }
0x97: {  	s17 =	sld [smem:$0x3FFB];
	_ =	sdelay $0x3  }
0x98: {  	_ =	strace s17  }
0x99: {  	s3 =	sld [smem:$0x3FFC];
	_ =	sdelay $0x3  }
0x9a: {  	_ =	strace s3  }
0x9b: {  	s3 =	sld [smem:$0x3FFD];
	_ =	sdelay $0x3  }
0x9c: {  	_ =	strace s3  }
0x9d: {  	_ =	strace $0x8FFFFFFF  }
0x9e: {  	s18 =	sld [smem:$0x3FDB];
	_ =	sdelay $0x1  }
0x9f: {  	s19 =	simm.s32 $_scs_section_size  }
0xa0: {  	s5 =	simm.s32 $_size__tile_overlayer_lowered;
	s6 =	simm.s32 $_tile_overlayer_lowered  }
0xa1: {  	s22 =	simm.s32 $0x1BFF;
	s21 =	sshll.u32 s6, $0x1;
	s3 =	sadd.s32 s19, s18  }
0xa2: {  	s7 =	simm.s32 $0x0;
	s20 =	sshll.u32 s5, $0x1;
	s5 =	sadd.s32 s21, s3  }
0xa3: {  	[timem:s7], [sflag:s22] =	dma.local [hbm:s5], s20  }
0xa4: {  	_ =	swait.ge [sflag:s22], s20  }
0xa5: {  	s4 =	ssub.s32 $0x0, s20;
	[sflag:s22] =	ssyncset.done $0x0  }
0xa6: {  	[sflag:s22] =	ssyncadd.s32 s4;
	_ =	sdelay $0x1  }
0xa7: {  	s23 =	simm.s32 $0x1B8B  }
0xa8: {  	_ =	swait.ge [sflag:s23], $0x1  }
0xa9: {  	[sflag:s23] =	ssyncset.done $0x0  }
0xaa: {  	s25 =	simm.s32 $0x1B8E;
	s24 =	sld [smem:$0x3FFE];
	[sflag:s23] =	ssyncadd.s32 $0xFFFFFFFF  }
0xab: {  	s26 =	simm.s32 $execute0_lowered;
	[smem:$0x3FD2] =	sst s25  }
0xac: {  	s5 =	sshll.u32 s26, $0x1;
	_ =	strace $0x80000046;
	[dreg:$0x1] =	wrdreg $0xFFFFFFFF  }
0xad: {  	s28 =	simm.s32 $_size_execute0_lowered;
	s3 =	sadd.s32 s3, s5;
	[dreg:$0x0] =	wrdreg $0x0  }
0xae: {  	s5 =	sshll.u32 s28, $0x1;
	[dreg:$0x2] =	wrdreg s3  }
0xaf: {  	[dreg:$0x3] =	wrdreg s5  }
0xb0: {  	[dreg:$0x4] =	wrdreg $0xC0  }
0xb1: {  	_ =	task [dreg:s7], $0x5FFFF  }
0xb2: {  	[dreg:$0x1] =	wrdreg $0xFFFFFFFF  }
0xb3: {  	[dreg:$0x0] =	wrdreg $0x60  }
0xb4: {  	[dreg:$0x2] =	wrdreg s24  }
0xb5: {  	[dreg:$0x3] =	wrdreg s16  }
0xb6: {  	[dreg:$0x4] =	wrdreg $0x9  }
0xb7: {  	_ =	task.clear_ibuf [dreg:s7], $0x5FFFF;
	_ =	strace $0x90000046  }
0xb8: {  	s29 =	simm.s32 $0x9;
	_ =	strace $0x80000048  }
0xb9: {  	_ =	swait.ge [sflag:s29], $0x1  }
0xba: {  	[sflag:s29] =	ssyncadd.s32 $0xFFFFFFFF  }
0xbb: {  	_ =	strace $0x90000048  }
0xbc: {  	_ =	sfence  }
0xbd: {  	s30 =	sld [smem:$0x0];
	_ =	sdelay $0x2  }
0xbe: {  	s31 =	sshll.u32 s1, $0xD;
	s1 =	sshrl.u32 s1, $0x2  }
0xbf: {  	s3 =	sand.u32 $0x4000, s31;
	s1 =	sadd.s32 s1, s30  }
0xc0: {  	s0 =	sor.u32 s3, s0;
	s1 =	sshll.u32 s1, $0x11  }
0xc1: {  	s0 =	sor.u32 s1, s0  }
0xc2: {  	s0 =	sadd.s32 $0x8F2B, s0  }
0xc3: {  	[sflag:s0] =	ssyncadd.remote.s32 $0x1  }
0xc4: {  	_ =	sfence.sel $0xFFFF  }
0xc5: {  	[dreg:$0x0] =	wrdreg $0xFFFFFFFF;
	(pc) =	sbr.abs _section_cstart, $3  }
0xc6: {  	[dreg:$0x1] =	wrdreg $0xFFFFFFFF  }
0xc7: {  	_ =	task.clear_ibuf [dreg:s7], $0x2FFFF;
	_ =	strace $0x9FFFFFFF  }
0xc8: {  	(tm) =	ssettm $0x7FFFFFFF  }
0xc9: {  	_ =	shalt  }
tec
execute0_lowered:
.L_overlay_start_1:
0x0: {  	(tag) =	ssettag $0x1  }
0x1: {  	s1 =	srdreg.scid;
	s4 =	rddreg [dreg:$0x0]  }
0x2: {  	s0 =	stileid.u32;
	s2 =	rddreg [dreg:$0x1];
	s18 =	simm.s32 $0x880  }
0x3: {  	s19 =	simm.s32 $0x1080;
	s20 =	simm.s32 $0x1880;
	s22 =	simm.s32 $0x2080  }
0x4: {  	s23 =	simm.s32 $0x2880;
	s24 =	simm.s32 $0x3080;
	s7 =	simm.s32 $0x3880  }
0x5: {  	s8 =	simm.s32 $0x4080;
	s1 =	sand.u32 $0x1, s1;
	s3 =	sshll.u32 s0, $0x1  }
0x6: {  	s25 =	simm.s32 $0x4880;
	s5 =	sor.u32 s1, s3;
	s3 =	simm.s32 $0x0  }
0x7: {  	s26 =	simm.s32 $0x5080;
	s9 =	simm.s32 $0x1;
	[smem:$0x7FF] =	sst s3  }
0x8: {  	s10 =	simm.s32 $0x2;
	_ =	strace $0x80000047;
	[dreg:$0x5] =	wrdreg s18  }
0x9: {  	s12 =	simm.s32 $0x6080;
	s13 =	simm.s32 $0x6880;
	[dreg:$0x6] =	wrdreg s19  }
0xa: {  	s14 =	simm.s32 $0x7080;
	s15 =	simm.s32 $0x7880;
	[dreg:$0x7] =	wrdreg s20  }
0xb: {  	s16 =	simm.s32 $0x8080;
	s28 =	simm.s32 $0xD880;
	[dreg:$0x8] =	wrdreg s22  }
0xc: {  	s29 =	simm.s32 $0xE080;
	s30 =	simm.s32 $0xE880;
	[dreg:$0x9] =	wrdreg s23  }
0xd: {  	s31 =	simm.s32 $0xF080;
	s1 =	ssub.s32 $0x2, s1;
	[dreg:$0xa] =	wrdreg s24  }
0xe: {  	s6 =	sshll.u32 s5, $0x4;
	s5 =	sshll.u32 s5, $0xD;
	[dreg:$0xb] =	wrdreg s7  }
0xf: {  	s21 =	sshrl.u32 s1, $0x1;
	s6 =	sadd.s32 s6, s4;
	[dreg:$0xc] =	wrdreg s8  }
0x10: {  	s4 =	sadd.s32 s5, s4;
	s1 =	ssub.s32 s1, s21;
	[dreg:$0xd] =	wrdreg s25  }
0x11: {  	s5 =	sadd.s32 $0x200, s2;
	s8 =	simm.s32 $0x80;
	[dreg:$0xe] =	wrdreg s26  }
0x12: {  	s18 =	simm.s32 $0x9080;
	s19 =	simm.s32 $0x9880;
	s20 =	simm.s32 $0xA080  }
0x13: {  	s21 =	simm.s32 $0xA880;
	s22 =	simm.s32 $0xB080;
	s23 =	simm.s32 $0xB880  }
0x14: {  	s24 =	simm.s32 $0xC080;
	s25 =	simm.s32 $0xC880;
	s26 =	simm.s32 $0xD080  }
0x15: {  	v2 =	vlaneseq.u32;
	s17 =	sadd.s32 $0x40400, s6;
	s4 =	sadd.s32 $0x400, s4;
	s6 =	sadd.s32 $0x300, s2  }
0x16: {  	vm0 =	vmmov $0xffff;
	v1 =	vshrl.u32 v2, $0x3;
	s7 =	smax.u32 s1, $0x1;
	s1 =	simm.s32 $0xF880;
	[dreg:$0x3] =	wrdreg s17  }
0x17: {  	v0 =	vand.u32 $0x7, v2;
	v2 =	vor.u32 $0x8, v2;
	v1 =	vmul.u32 $0x8, v1;
	[dreg:$0x4] =	wrdreg s4;
	s4 =	sadd.s32 $0x100, s2;
	s17 =	simm.s32 $0x8880  }
.LBB2_1:
0x18: {  	s0 =	rddreg [dreg:$0x3]  }
0x19: {  	[tilespmem:s3], [sflag:$0x1] =	stream.linear.gather [hbm4b:s0+s3], $0x80, $0x38;
	[tilespmem:$0x10080] =	vst v63  }
0x1a: {  	s11 =	rddreg [dreg:$0x4]  }
0x1b: {  	[tilespmem:s8], [sflag:$0x2] =	stream.linear.gather [hbm4b:s11+s3], $0x10000, $0x38;
	[tilespmem:$0x10080] =	vst v63  }
0x1c: {  	_ =	swait.ge [sflag:s9], $0x80  }
0x1d: {  	[sflag:s9] =	ssyncset.done $0x0  }
0x1e: {  	[sflag:s9] =	ssyncadd.s32 $0xFFFFFF80  }
0x1f: {  	_ =	swait.ge [sflag:s10], $0x10000  }
0x20: {  	[sflag:s10] =	ssyncset.done $0x0  }
0x21: {  	[sflag:s10] =	ssyncadd.s32 $0xFFFF0000  }
0x22: {  	v3 =	vld [tilespmem:$0x0];
	_ =	sdelay $0x4  }
0x23: {  	v4 =	vshll.u32 v3, $0x3  }
0x24: {  	v3 =	vand.u32 $0x7, v3;
	v4 =	vand.u32 $0xFFFFFFC0, v4  }
0x25: {  	v3 =	vor.u32 v3, v4  }
0x26: {  	v4 =	vperm.xlane v3, v0;
	_ =	sdelay $0x1  }
0x27: {  	v4 =	vadd.s32 v1, v4;
	_ =	sdelay $0x4  }
0x28: {  	[hbm4b:s2+s3] =	stream.indirect_vreg.scatter [tilespmem:s8], [sflag:$0x1], $0x80, v4, vm0, $0xb8;
	[tilespmem:$0x10080] =	vst v63  }
0x29: {  	s0 =	rddreg [dreg:$0x5];
	v3 =	vperm.xlane v3, v2  }
0x2a: {  	[hbm4b:s4+s3] =	stream.indirect_vreg.scatter [tilespmem:s0], [sflag:$0x1], $0x80, v4, vm0, $0xb8;
	[tilespmem:$0x10080] =	vst v63  }
0x2b: {  	s11 =	rddreg [dreg:$0x6];
	v3 =	vadd.s32 v1, v3  }
0x2c: {  	[hbm4b:s5+s3] =	stream.indirect_vreg.scatter [tilespmem:s11], [sflag:$0x1], $0x80, v4, vm0, $0xb8;
	[tilespmem:$0x10080] =	vst v63  }
0x2d: {  	s0 =	rddreg [dreg:$0x7]  }
0x2e: {  	[hbm4b:s6+s3] =	stream.indirect_vreg.scatter [tilespmem:s0], [sflag:$0x1], $0x80, v4, vm0, $0xb8;
	[tilespmem:$0x10080] =	vst v63  }
0x2f: {  	s11 =	rddreg [dreg:$0x8]  }
0x30: {  	[hbm4b:s2+s3] =	stream.indirect_vreg.scatter [tilespmem:s11], [sflag:$0x1], $0x80, v3, vm0, $0xb8;
	[tilespmem:$0x10080] =	vst v63  }
0x31: {  	s0 =	rddreg [dreg:$0x9]  }
0x32: {  	[hbm4b:s4+s3] =	stream.indirect_vreg.scatter [tilespmem:s0], [sflag:$0x1], $0x80, v3, vm0, $0xb8;
	[tilespmem:$0x10080] =	vst v63  }
0x33: {  	s11 =	rddreg [dreg:$0xa]  }
0x34: {  	[hbm4b:s5+s3] =	stream.indirect_vreg.scatter [tilespmem:s11], [sflag:$0x1], $0x80, v3, vm0, $0xb8;
	[tilespmem:$0x10080] =	vst v63  }
0x35: {  	s0 =	rddreg [dreg:$0xb]  }
0x36: {  	[hbm4b:s6+s3] =	stream.indirect_vreg.scatter [tilespmem:s0], [sflag:$0x1], $0x80, v3, vm0, $0xb8;
	[tilespmem:$0x10080] =	vst v63  }
0x37: {  	v3 =	vld [tilespmem:$0x10];
	_ =	sdelay $0x4  }
0x38: {  	v61 =	vshll.u32 v3, $0x3  }
0x39: {  	v3 =	vand.u32 $0x7, v3;
	v4 =	vand.u32 $0xFFFFFFC0, v61  }
0x3a: {  	v3 =	vor.u32 v3, v4  }
0x3b: {  	v4 =	vperm.xlane v3, v0;
	_ =	sdelay $0x1  }
0x3c: {  	v4 =	vadd.s32 v1, v4;
	_ =	sdelay $0x3  }
0x3d: {  	s0 =	rddreg [dreg:$0xc]  }
0x3e: {  	[hbm4b:s2+s3] =	stream.indirect_vreg.scatter [tilespmem:s0], [sflag:$0x1], $0x80, v4, vm0, $0xb8;
	[tilespmem:$0x10080] =	vst v63  }
0x3f: {  	s11 =	rddreg [dreg:$0xd];
	v3 =	vperm.xlane v3, v2  }
0x40: {  	[hbm4b:s4+s3] =	stream.indirect_vreg.scatter [tilespmem:s11], [sflag:$0x1], $0x80, v4, vm0, $0xb8;
	[tilespmem:$0x10080] =	vst v63  }
0x41: {  	v3 =	vadd.s32 v1, v3;
	s0 =	rddreg [dreg:$0xe]  }
0x42: {  	[hbm4b:s5+s3] =	stream.indirect_vreg.scatter [tilespmem:s0], [sflag:$0x1], $0x80, v4, vm0, $0xb8;
	[tilespmem:$0x10080] =	vst v63  }
0x43: {  	s11 =	simm.s32 $0x5880  }
0x44: {  	[hbm4b:s6+s3] =	stream.indirect_vreg.scatter [tilespmem:s11], [sflag:$0x1], $0x80, v4, vm0, $0xb8;
	[tilespmem:$0x10080] =	vst v63  }
0x45: {  	_ = 	snop  }
0x46: {  	[hbm4b:s2+s3] =	stream.indirect_vreg.scatter [tilespmem:s12], [sflag:$0x1], $0x80, v3, vm0, $0xb8;
	[tilespmem:$0x10080] =	vst v63  }
0x47: {  	_ = 	snop  }
0x48: {  	[hbm4b:s4+s3] =	stream.indirect_vreg.scatter [tilespmem:s13], [sflag:$0x1], $0x80, v3, vm0, $0xb8;
	[tilespmem:$0x10080] =	vst v63  }
0x49: {  	_ = 	snop  }
0x4a: {  	[hbm4b:s5+s3] =	stream.indirect_vreg.scatter [tilespmem:s14], [sflag:$0x1], $0x80, v3, vm0, $0xb8;
	[tilespmem:$0x10080] =	vst v63  }
0x4b: {  	_ = 	snop  }
0x4c: {  	[hbm4b:s6+s3] =	stream.indirect_vreg.scatter [tilespmem:s15], [sflag:$0x1], $0x80, v3, vm0, $0xb8;
	[tilespmem:$0x10080] =	vst v63  }
0x4d: {  	v3 =	vld [tilespmem:$0x20];
	_ =	sdelay $0x4  }
0x4e: {  	v62 =	vshll.u32 v3, $0x3  }
0x4f: {  	v3 =	vand.u32 $0x7, v3;
	v4 =	vand.u32 $0xFFFFFFC0, v62  }
0x50: {  	v3 =	vor.u32 v3, v4  }
0x51: {  	v4 =	vperm.xlane v3, v0;
	_ =	sdelay $0x1  }
0x52: {  	v4 =	vadd.s32 v1, v4;
	_ =	sdelay $0x4  }
0x53: {  	[hbm4b:s2+s3] =	stream.indirect_vreg.scatter [tilespmem:s16], [sflag:$0x1], $0x80, v4, vm0, $0xb8;
	[tilespmem:$0x10080] =	vst v63  }
0x54: {  	v3 =	vperm.xlane v3, v2  }
0x55: {  	[hbm4b:s4+s3] =	stream.indirect_vreg.scatter [tilespmem:s17], [sflag:$0x1], $0x80, v4, vm0, $0xb8;
	[tilespmem:$0x10080] =	vst v63  }
0x56: {  	v3 =	vadd.s32 v1, v3  }
0x57: {  	[hbm4b:s5+s3] =	stream.indirect_vreg.scatter [tilespmem:s18], [sflag:$0x1], $0x80, v4, vm0, $0xb8;
	[tilespmem:$0x10080] =	vst v63  }
0x58: {  	_ = 	snop  }
0x59: {  	[hbm4b:s6+s3] =	stream.indirect_vreg.scatter [tilespmem:s19], [sflag:$0x1], $0x80, v4, vm0, $0xb8;
	[tilespmem:$0x10080] =	vst v63  }
0x5a: {  	_ = 	snop  }
0x5b: {  	[hbm4b:s2+s3] =	stream.indirect_vreg.scatter [tilespmem:s20], [sflag:$0x1], $0x80, v3, vm0, $0xb8;
	[tilespmem:$0x10080] =	vst v63  }
0x5c: {  	_ = 	snop  }
0x5d: {  	[hbm4b:s4+s3] =	stream.indirect_vreg.scatter [tilespmem:s21], [sflag:$0x1], $0x80, v3, vm0, $0xb8;
	[tilespmem:$0x10080] =	vst v63  }
0x5e: {  	_ = 	snop  }
0x5f: {  	[hbm4b:s5+s3] =	stream.indirect_vreg.scatter [tilespmem:s22], [sflag:$0x1], $0x80, v3, vm0, $0xb8;
	[tilespmem:$0x10080] =	vst v63  }
0x60: {  	_ = 	snop  }
0x61: {  	[hbm4b:s6+s3] =	stream.indirect_vreg.scatter [tilespmem:s23], [sflag:$0x1], $0x80, v3, vm0, $0xb8;
	[tilespmem:$0x10080] =	vst v63  }
0x62: {  	v3 =	vld [tilespmem:$0x30];
	_ =	sdelay $0x4  }
0x63: {  	v63 =	vshll.u32 v3, $0x3  }
0x64: {  	v3 =	vand.u32 $0x7, v3;
	v4 =	vand.u32 $0xFFFFFFC0, v63  }
0x65: {  	v3 =	vor.u32 v3, v4  }
0x66: {  	v4 =	vperm.xlane v3, v0;
	_ =	sdelay $0x1  }
0x67: {  	v4 =	vadd.s32 v1, v4;
	_ =	sdelay $0x4  }
0x68: {  	[hbm4b:s2+s3] =	stream.indirect_vreg.scatter [tilespmem:s24], [sflag:$0x1], $0x80, v4, vm0, $0xb8;
	[tilespmem:$0x10080] =	vst v63  }
0x69: {  	v3 =	vperm.xlane v3, v2  }
0x6a: {  	[hbm4b:s4+s3] =	stream.indirect_vreg.scatter [tilespmem:s25], [sflag:$0x1], $0x80, v4, vm0, $0xb8;
	[tilespmem:$0x10080] =	vst v63  }
0x6b: {  	v3 =	vadd.s32 v1, v3  }
0x6c: {  	[hbm4b:s5+s3] =	stream.indirect_vreg.scatter [tilespmem:s26], [sflag:$0x1], $0x80, v4, vm0, $0xb8;
	[tilespmem:$0x10080] =	vst v63  }
0x6d: {  	_ = 	snop  }
0x6e: {  	[hbm4b:s6+s3] =	stream.indirect_vreg.scatter [tilespmem:s28], [sflag:$0x1], $0x80, v4, vm0, $0xb8;
	[tilespmem:$0x10080] =	vst v63  }
0x6f: {  	_ = 	snop  }
0x70: {  	[hbm4b:s2+s3] =	stream.indirect_vreg.scatter [tilespmem:s29], [sflag:$0x1], $0x80, v3, vm0, $0xb8;
	[tilespmem:$0x10080] =	vst v63  }
0x71: {  	_ = 	snop  }
0x72: {  	[hbm4b:s4+s3] =	stream.indirect_vreg.scatter [tilespmem:s30], [sflag:$0x1], $0x80, v3, vm0, $0xb8;
	[tilespmem:$0x10080] =	vst v63  }
0x73: {  	p0 =	sne.s32 s7, $0x1  }
0x74: {  	[hbm4b:s5+s3] =	stream.indirect_vreg.scatter [tilespmem:s31], [sflag:$0x1], $0x80, v3, vm0, $0xb8;
	[tilespmem:$0x10080] =	vst v63  }
.Ltmp0:
0x75: {  	_ = 	snop;
	(pc) =	sbr.rel @p0 .LBB2_1-.Ltmp0, $4  }
0x76: {  	[hbm4b:s6+s3] =	stream.indirect_vreg.scatter [tilespmem:s1], [sflag:$0x1], $0x80, v3, vm0, $0xb8;
	[tilespmem:$0x10080] =	vst v63  }
0x77: {  	_ =	swait.ge [sflag:s9], $0x10000  }
0x78: {  	[sflag:s9] =	ssyncset.done $0x0  }
0x79: {  	s7 =	sadd.s32 $0xFFFFFFFF, s7;
	[sflag:s9] =	ssyncadd.s32 $0xFFFF0000  }
0x7a: {  	_ =	sfence.sel $0x180000  }
0x7b: {  	[bflag:$0x0] =	sbarrier.arrive $0xFFFF  }
0x7c: {  	_ =	strace $0x90000047  }
0x7d: {  	s0 =	stileid.u32;
	[bflag:$0x2] =	sbarrier.arrive $0xFFFF  }
0x7e: {  	p0 =	sne.s32 s0, $0x0;
	s0 =	rddreg [dreg:$0x2]  }
0x7f: {  	s0 =	sadd.s32 @!p0 $0x100000, s0  }
0x80: {  	[sflag:s0] =	ssyncadd.tile.s32 @!p0 $0x1;
	_ =	shalt  }
.Lfunc_end2:
_tile_overlayer_lowered:
.L_overlay_start_2:
0x81: {  	(tag) =	ssettag $0x2  }
0x82: {  	s0 =	rddreg [dreg:$0x0];
	s2 =	stileid.u32  }
0x83: {  	s1 =	rddreg [dreg:$0x1];
	p0 =	sne.s32 s2, $0x0  }
0x84: {  	s3 =	rddreg [dreg:$0x2];
	[bflag:$0x3] =	sbarrier.arrive $0xFFFF;
	s2 =	simm.s32 @!p0 $0x1C03  }
0x85: {  	[timem:s3], [sflag:s2] =	dma.local @!p0 [hbm:s0], s1  }
0x86: {  	s0 =	simm.s32 @!p0 $0x3  }
0x87: {  	_ =	swait.ge @!p0 [sflag:s0], s1  }
0x88: {  	s1 =	ssub.s32 @!p0 $0x0, s1;
	[sflag:s0] =	ssyncset.done @!p0 $0x0  }
0x89: {  	[sflag:s0] =	ssyncadd.s32 @!p0 s1  }
0x8a: {  	[bflag:$0x3] =	sbarrier.arrive $0xFFFF  }
0x8b: {  	_ =	shalt  }

// kernel: kernel.9.cloned.1.call-start
scs
__scs_entry_jumppad:
0x0: {  	(pc) =	sbr.rel $0x88, $3  }
0x1: {  	(tag) =	ssettag $0x0;
	lr =	simm.s32 $0x1  }
0x2: {  	[smem:$0x3F9A] =	sst lr;
	_ =	strace $0xD0000000  }
0x3: {  	_ = 	snop  }
0x4: {  	_ = 	snop  }
0x5: {  	_ = 	snop  }
0x6: {  	_ = 	snop  }
0x7: {  	_ = 	snop  }
__scs_overlays_trampoline_lowered:
0x8: {  	[smem:$0x3FA9] =	sst s0  }
0x9: {  	[smem:$0x3FAA] =	sst s1  }
0xa: {  	[smem:$0x3FAB] =	sst s2  }
0xb: {  	[smem:$0x3FAC] =	sst s3  }
0xc: {  	[smem:$0x3FAD] =	sst s4  }
0xd: {  	[smem:$0x3FAE] =	sst s5  }
0xe: {  	[smem:$0x3FAF] =	sst s6  }
0xf: {  	[smem:$0x3FB0] =	sst s7  }
0x10: {  	[smem:$0x3FB1] =	sst s8  }
0x11: {  	[smem:$0x3FB2] =	sst s9;
	s0 =	simm.s32 @!p0 $0x0  }
0x12: {  	s1 =	sld [smem:$0x3F98];
	s0 =	simm.s32 @p0 $0x1  }
0x13: {  	[smem:$0x3FB3] =	sst s0;
	s0 =	simm.s32 @!p1 $0x0  }
0x14: {  	s2 =	sld [smem:$0x3F97];
	s0 =	simm.s32 @p1 $0x1  }
0x15: {  	[smem:$0x3FB4] =	sst s0;
	s0 =	simm.s32 @!p2 $0x0  }
0x16: {  	s3 =	sld [smem:$0x3FDB];
	s0 =	simm.s32 @p2 $0x1  }
0x17: {  	s4 =	simm.s32 $0x1BF5;
	[smem:$0x3FB6] =	sst s0  }
0x18: {  	s0 =	sld [smem:$0x3F99];
	_ =	swait.ge [sflag:s4], $0x0  }
0x19: {  	s7 =	sld [smem:$0x3F9A]  }
0x1a: {  	s8 =	sadd.s32 $0xFFFFE003, lr  }
0x1b: {  	s9 =	sadd.s32 $0xFFFFFEF7, lr;
	s5 =	simm.s32 $0xFFFFFFFF;
	p2 =	slt.u32 s8, $0xFFFFF086  }
0x1c: {  	p1 =	slt.u32 s9, $0xF7A;
	s5 =	simm.s32 @!p2 $0x0  }
0x1d: {  	s5 =	simm.s32 @p1 $0x1;
	p0 =	seq.s32 s7, s2  }
0x1e: {  	s7 =	smul.u32 @!p0 $0xF7A, s2;
	p2 =	seq.s32 @!p0 s5, $0x0  }
0x1f: {  	s9 =	smul.u32 $0xF7A, s1;
	s8 =	simm.s32 @!p0 $0x1BF5;
	p2 =	por !p2, p0  }
0x20: {  	[sflag:s8] =	ssyncset.s32 @!p0 $0xFFFFF086;
	s6 =	sadd.s32 @!p0 s3, s7;
	s7 =	simm.s32 @!p0 $0x108  }
0x21: {  	s3 =	sadd.s32 s3, s9;
	s6 =	sadd.s32 @!p0 $0x88, s6;
	s7 =	simm.s32 @p2 $0x1082  }
0x22: {  	[simem:s7], [sflag:s8] =	dma.local @!p0 [hbm:s6], $0xF7A  }
0x23: {  	s9 =	sor.u32 $0xD0000000, s2;
	s6 =	simm.s32 $0x108;
	_ =	swait.ge @!p0 [sflag:s8], $0x0  }
0x24: {  	s3 =	sadd.s32 $0x88, s3;
	s6 =	simm.s32 @!p1 $0x1082;
	[sflag:s4] =	ssyncset.s32 $0xFFFFF086  }
0x25: {  	[simem:s6], [sflag:s4] =	dma.local [hbm:s3], $0xF7A  }
0x26: {  	[smem:$0x3F9A] =	sst s1;
	(tag) =	ssettag s2;
	_ =	strace s9  }
0x27: {  	s1 =	sld [smem:$0x3FAA]  }
0x28: {  	s2 =	sld [smem:$0x3FAB]  }
0x29: {  	s4 =	sld [smem:$0x3FAD]  }
0x2a: {  	p0 =	seq.s32 s5, $0x0;
	s5 =	sld [smem:$0x3FAE]  }
0x2b: {  	s6 =	sld [smem:$0x3FAF]  }
0x2c: {  	s7 =	sld [smem:$0x3FB0]  }
0x2d: {  	s3 =	simm.s32 $0x108;
	s8 =	sld [smem:$0x3FB1]  }
0x2e: {  	s3 =	simm.s32 @!p0 $0x1082;
	s9 =	sld [smem:$0x3FB2]  }
0x2f: {  	lr =	sadd.s32 s0, s3;
	s0 =	sld [smem:$0x3FA9]  }
0x30: {  	s3 =	sld [smem:$0x3FAC]  }
0x31: {  	[smem:$0x3FB5] =	sst s10  }
0x32: {  	s10 =	sld [smem:$0x3FB3];
	_ =	sdelay $0x3  }
0x33: {  	p0 =	seq.s32 s10, $0x1;
	s10 =	sld [smem:$0x3FB5];
	_ =	sdelay $0x3  }
0x34: {  	[smem:$0x3FB5] =	sst s10  }
0x35: {  	s10 =	sld [smem:$0x3FB4];
	_ =	sdelay $0x3  }
0x36: {  	p1 =	seq.s32 s10, $0x1;
	s10 =	sld [smem:$0x3FB5];
	_ =	sdelay $0x3  }
0x37: {  	[smem:$0x3FB5] =	sst s10  }
0x38: {  	s10 =	sld [smem:$0x3FB6]  }
0x39: {  	_ = 	snop;
	(pc) =	sbr.ind lr, $3  }
0x3a: {  	_ = 	snop  }
0x3b: {  	_ = 	snop  }
0x3c: {  	p2 =	seq.s32 s10, $0x1;
	s10 =	sld [smem:$0x3FB5]  }
0x3d: {  	_ =	shalt  }
0x3e: {  	_ =	shalt  }
0x3f: {  	_ =	shalt  }
0x40: {  	_ =	shalt  }
0x41: {  	_ =	shalt  }
0x42: {  	_ =	shalt  }
0x43: {  	_ =	shalt  }
0x44: {  	_ =	shalt  }
0x45: {  	_ =	shalt  }
0x46: {  	_ =	shalt  }
0x47: {  	_ =	shalt  }
0x48: {  	_ =	shalt  }
0x49: {  	_ =	shalt  }
0x4a: {  	_ =	shalt  }
0x4b: {  	_ =	shalt  }
0x4c: {  	_ =	shalt  }
0x4d: {  	_ =	shalt  }
0x4e: {  	_ =	shalt  }
0x4f: {  	_ =	shalt  }
0x50: {  	_ =	shalt  }
0x51: {  	_ =	shalt  }
0x52: {  	_ =	shalt  }
0x53: {  	_ =	shalt  }
0x54: {  	_ =	shalt  }
0x55: {  	_ =	shalt  }
0x56: {  	_ =	shalt  }
0x57: {  	_ =	shalt  }
0x58: {  	_ =	shalt  }
0x59: {  	_ =	shalt  }
0x5a: {  	_ =	shalt  }
0x5b: {  	_ =	shalt  }
0x5c: {  	_ =	shalt  }
0x5d: {  	_ =	shalt  }
0x5e: {  	_ =	shalt  }
0x5f: {  	_ =	shalt  }
0x60: {  	_ =	shalt  }
0x61: {  	_ =	shalt  }
0x62: {  	_ =	shalt  }
0x63: {  	_ =	shalt  }
0x64: {  	_ =	shalt  }
0x65: {  	_ =	shalt  }
0x66: {  	_ =	shalt  }
0x67: {  	_ =	shalt  }
0x68: {  	_ =	shalt  }
0x69: {  	_ =	shalt  }
0x6a: {  	_ =	shalt  }
0x6b: {  	_ =	shalt  }
0x6c: {  	_ =	shalt  }
0x6d: {  	_ =	shalt  }
0x6e: {  	_ =	shalt  }
0x6f: {  	_ =	shalt  }
0x70: {  	_ =	shalt  }
0x71: {  	_ =	shalt  }
0x72: {  	_ =	shalt  }
0x73: {  	_ =	shalt  }
0x74: {  	_ =	shalt  }
0x75: {  	_ =	shalt  }
0x76: {  	_ =	shalt  }
0x77: {  	_ =	shalt  }
0x78: {  	_ =	shalt  }
0x79: {  	_ =	shalt  }
0x7a: {  	_ =	shalt  }
0x7b: {  	_ =	shalt  }
0x7c: {  	_ =	shalt  }
0x7d: {  	_ =	shalt  }
0x7e: {  	_ =	shalt  }
0x7f: {  	_ =	shalt  }
0x80: {  	_ =	shalt  }
0x81: {  	_ =	shalt  }
0x82: {  	_ =	shalt  }
0x83: {  	_ =	shalt  }
0x84: {  	_ =	shalt  }
0x85: {  	_ =	shalt  }
0x86: {  	_ =	shalt  }
0x87: {  	_ =	shalt  }
.Lfunc_end0:
.L_simem_size_0:
called_computation.1_lowered:
.L_overlay_start_0:
0x88: {  	s2 =	sld [smem:$0x3FD9]  }
0x89: {  	s3 =	sld [smem:$0x3FFE];
	_ =	sdelay $0x1  }
0x8a: {  	s1 =	srdreg.scid  }
0x8b: {  	s0 =	sand.u32 $0x1, s1  }
0x8c: {  	s14 =	sshll.u32 s0, $0xA;
	s2 =	sadd.s32 s3, s2  }
0x8d: {  	s2 =	sadd.s32 s2, s14  }
0x8e: {  	[smem:$0x3FC1] =	sst s2  }
0x8f: {  	_ = 	snop  }
0x90: {  	s2 =	sld [smem:$0x3FD0];
	_ =	sdelay $0x2  }
0x91: {  	s15 =	simm.s32 $0xA;
	s4 =	simm.s32 $0x10  }
0x92: {  	[smem:s4], [sflag:s15] =	dma.local [hbm:s2], $0x1  }
0x93: {  	_ =	swait.eq [sflag:s15], $0x1  }
0x94: {  	[sflag:s15] =	ssyncset.done $0x0  }
0x95: {  	[sflag:s15] =	ssyncadd.s32 $0xFFFFFFFF  }
0x96: {  	s16 =	sld [smem:$0x10];
	(tm) =	ssettm $0x1  }
0x97: {  	s17 =	sld [smem:$0x3FFB];
	_ =	sdelay $0x3  }
0x98: {  	_ =	strace s17  }
0x99: {  	s3 =	sld [smem:$0x3FFC];
	_ =	sdelay $0x3  }
0x9a: {  	_ =	strace s3  }
0x9b: {  	s3 =	sld [smem:$0x3FFD];
	_ =	sdelay $0x3  }
0x9c: {  	_ =	strace s3  }
0x9d: {  	_ =	strace $0x8FFFFFFF  }
0x9e: {  	s18 =	sld [smem:$0x3FDB];
	_ =	sdelay $0x1  }
0x9f: {  	s19 =	simm.s32 $_scs_section_size  }
0xa0: {  	s5 =	simm.s32 $_size__tile_overlayer_lowered;
	s6 =	simm.s32 $_tile_overlayer_lowered  }
0xa1: {  	s22 =	simm.s32 $0x1BFF;
	s21 =	sshll.u32 s6, $0x1;
	s3 =	sadd.s32 s19, s18  }
0xa2: {  	s7 =	simm.s32 $0x0;
	s20 =	sshll.u32 s5, $0x1;
	s5 =	sadd.s32 s21, s3  }
0xa3: {  	[timem:s7], [sflag:s22] =	dma.local [hbm:s5], s20  }
0xa4: {  	_ =	swait.ge [sflag:s22], s20  }
0xa5: {  	s4 =	ssub.s32 $0x0, s20;
	[sflag:s22] =	ssyncset.done $0x0  }
0xa6: {  	[sflag:s22] =	ssyncadd.s32 s4;
	_ =	sdelay $0x1  }
0xa7: {  	s23 =	simm.s32 $0x1B8B  }
0xa8: {  	_ =	swait.ge [sflag:s23], $0x1  }
0xa9: {  	[sflag:s23] =	ssyncset.done $0x0  }
0xaa: {  	s25 =	simm.s32 $0x1B8E;
	s24 =	sld [smem:$0x3FFE];
	[sflag:s23] =	ssyncadd.s32 $0xFFFFFFFF  }
0xab: {  	s26 =	simm.s32 $execute0_lowered;
	[smem:$0x3FD2] =	sst s25  }
0xac: {  	s5 =	sshll.u32 s26, $0x1;
	_ =	strace $0x80000049;
	[dreg:$0x1] =	wrdreg $0xFFFFFFFF  }
0xad: {  	s28 =	simm.s32 $_size_execute0_lowered;
	s3 =	sadd.s32 s3, s5;
	[dreg:$0x0] =	wrdreg $0x0  }
0xae: {  	s5 =	sshll.u32 s28, $0x1;
	[dreg:$0x2] =	wrdreg s3  }
0xaf: {  	[dreg:$0x3] =	wrdreg s5  }
0xb0: {  	[dreg:$0x4] =	wrdreg $0xC0  }
0xb1: {  	_ =	task [dreg:s7], $0x5FFFF  }
0xb2: {  	[dreg:$0x1] =	wrdreg $0xFFFFFFFF  }
0xb3: {  	[dreg:$0x0] =	wrdreg $0x60  }
0xb4: {  	[dreg:$0x2] =	wrdreg s16  }
0xb5: {  	[dreg:$0x3] =	wrdreg s24  }
0xb6: {  	[dreg:$0x4] =	wrdreg $0x9  }
0xb7: {  	_ =	task.clear_ibuf [dreg:s7], $0x5FFFF;
	_ =	strace $0x90000049  }
0xb8: {  	s29 =	simm.s32 $0x9;
	_ =	strace $0x8000004B  }
0xb9: {  	_ =	swait.ge [sflag:s29], $0x1  }
0xba: {  	[sflag:s29] =	ssyncadd.s32 $0xFFFFFFFF  }
0xbb: {  	_ =	strace $0x9000004B  }
0xbc: {  	_ =	sfence  }
0xbd: {  	s30 =	sld [smem:$0x0];
	_ =	sdelay $0x2  }
0xbe: {  	s31 =	sshll.u32 s1, $0xD;
	s1 =	sshrl.u32 s1, $0x2  }
0xbf: {  	s3 =	sand.u32 $0x4000, s31;
	s1 =	sadd.s32 s1, s30  }
0xc0: {  	s0 =	sor.u32 s3, s0;
	s1 =	sshll.u32 s1, $0x11  }
0xc1: {  	s0 =	sor.u32 s1, s0  }
0xc2: {  	s0 =	sadd.s32 $0x8F2B, s0  }
0xc3: {  	[sflag:s0] =	ssyncadd.remote.s32 $0x1  }
0xc4: {  	_ =	sfence.sel $0xFFFF  }
0xc5: {  	[dreg:$0x0] =	wrdreg $0xFFFFFFFF;
	(pc) =	sbr.abs _section_cstart, $3  }
0xc6: {  	[dreg:$0x1] =	wrdreg $0xFFFFFFFF  }
0xc7: {  	_ =	task.clear_ibuf [dreg:s7], $0x2FFFF;
	_ =	strace $0x9FFFFFFF  }
0xc8: {  	(tm) =	ssettm $0x7FFFFFFF  }
0xc9: {  	_ =	shalt  }
tec
execute0_lowered:
.L_overlay_start_1:
0x0: {  	(tag) =	ssettag $0x1  }
0x1: {  	s1 =	srdreg.scid;
	s2 =	rddreg [dreg:$0x0]  }
0x2: {  	s0 =	stileid.u32;
	s4 =	rddreg [dreg:$0x1];
	s18 =	simm.s32 $0x880  }
0x3: {  	s19 =	simm.s32 $0x1080;
	s20 =	simm.s32 $0x1880;
	s22 =	simm.s32 $0x2080  }
0x4: {  	s23 =	simm.s32 $0x2880;
	s24 =	simm.s32 $0x3080;
	s7 =	simm.s32 $0x3880  }
0x5: {  	s8 =	simm.s32 $0x4080;
	s1 =	sand.u32 $0x1, s1;
	s3 =	sshll.u32 s0, $0x1  }
0x6: {  	s25 =	simm.s32 $0x4880;
	s5 =	sor.u32 s1, s3;
	s3 =	simm.s32 $0x0  }
0x7: {  	s26 =	simm.s32 $0x5080;
	s9 =	simm.s32 $0x80;
	[smem:$0x7FF] =	sst s3  }
0x8: {  	s11 =	simm.s32 $0x6080;
	_ =	strace $0x8000004A;
	[dreg:$0x5] =	wrdreg s18  }
0x9: {  	s12 =	simm.s32 $0x6880;
	s13 =	simm.s32 $0x7080;
	[dreg:$0x6] =	wrdreg s19  }
0xa: {  	s14 =	simm.s32 $0x7880;
	s15 =	simm.s32 $0x8080;
	[dreg:$0x7] =	wrdreg s20  }
0xb: {  	s16 =	simm.s32 $0x8880;
	s28 =	simm.s32 $0xE080;
	[dreg:$0x8] =	wrdreg s22  }
0xc: {  	s29 =	simm.s32 $0xE880;
	s30 =	simm.s32 $0xF080;
	[dreg:$0x9] =	wrdreg s23  }
0xd: {  	s31 =	simm.s32 $0xF880;
	s1 =	ssub.s32 $0x2, s1;
	[dreg:$0xa] =	wrdreg s24  }
0xe: {  	s6 =	sshll.u32 s5, $0x4;
	s5 =	sshll.u32 s5, $0xD;
	[dreg:$0xb] =	wrdreg s7  }
0xf: {  	s21 =	sshrl.u32 s1, $0x1;
	s6 =	sadd.s32 s6, s4;
	[dreg:$0xc] =	wrdreg s8  }
0x10: {  	s4 =	sadd.s32 s5, s4;
	s1 =	ssub.s32 s1, s21;
	[dreg:$0xd] =	wrdreg s25  }
0x11: {  	s5 =	sadd.s32 $0x200, s2;
	s8 =	simm.s32 $0x2;
	[dreg:$0xe] =	wrdreg s26  }
0x12: {  	s18 =	simm.s32 $0x9880;
	s19 =	simm.s32 $0xA080;
	s20 =	simm.s32 $0xA880  }
0x13: {  	s21 =	simm.s32 $0xB080;
	s22 =	simm.s32 $0xB880;
	s23 =	simm.s32 $0xC080  }
0x14: {  	s24 =	simm.s32 $0xC880;
	s25 =	simm.s32 $0xD080;
	s26 =	simm.s32 $0xD880  }
0x15: {  	v2 =	vlaneseq.u32;
	s17 =	sadd.s32 $0x40400, s6;
	s4 =	sadd.s32 $0x400, s4;
	s6 =	sadd.s32 $0x300, s2  }
0x16: {  	vm0 =	vmmov $0xffff;
	v1 =	vshrl.u32 v2, $0x3;
	s7 =	smax.u32 s1, $0x1;
	s1 =	simm.s32 $0x1;
	[dreg:$0x3] =	wrdreg s17  }
0x17: {  	v0 =	vand.u32 $0x7, v2;
	v2 =	vor.u32 $0x8, v2;
	v1 =	vmul.u32 $0x8, v1;
	[dreg:$0x4] =	wrdreg s4;
	s4 =	sadd.s32 $0x100, s2;
	s17 =	simm.s32 $0x9080  }
.LBB2_1:
0x18: {  	s0 =	rddreg [dreg:$0x3]  }
0x19: {  	[tilespmem:s3], [sflag:$0x2] =	stream.linear.gather [hbm4b:s0+s3], $0x80, $0x38;
	[tilespmem:$0x10080] =	vst v63  }
0x1a: {  	_ =	swait.ge [sflag:s8], $0x80  }
0x1b: {  	[sflag:s8] =	ssyncset.done $0x0  }
0x1c: {  	[sflag:s8] =	ssyncadd.s32 $0xFFFFFF80  }
0x1d: {  	v3 =	vld [tilespmem:$0x0];
	_ =	sdelay $0x4  }
0x1e: {  	v4 =	vshll.u32 v3, $0x3  }
0x1f: {  	v3 =	vand.u32 $0x7, v3;
	v4 =	vand.u32 $0xFFFFFFC0, v4  }
0x20: {  	v3 =	vor.u32 v3, v4  }
0x21: {  	v4 =	vperm.xlane v3, v0;
	_ =	sdelay $0x1  }
0x22: {  	v4 =	vadd.s32 v1, v4;
	_ =	sdelay $0x4  }
0x23: {  	[tilespmem:s9], [sflag:$0x1] =	stream.indirect_vreg.gather [hbm4b:s2+s3], $0x80, v4, vm0, $0xb8;
	[tilespmem:$0x10080] =	vst v63  }
0x24: {  	s0 =	rddreg [dreg:$0x5];
	v3 =	vperm.xlane v3, v2  }
0x25: {  	[tilespmem:s0], [sflag:$0x1] =	stream.indirect_vreg.gather [hbm4b:s4+s3], $0x80, v4, vm0, $0xb8;
	[tilespmem:$0x10080] =	vst v63  }
0x26: {  	s10 =	rddreg [dreg:$0x6];
	v3 =	vadd.s32 v1, v3  }
0x27: {  	[tilespmem:s10], [sflag:$0x1] =	stream.indirect_vreg.gather [hbm4b:s5+s3], $0x80, v4, vm0, $0xb8;
	[tilespmem:$0x10080] =	vst v63  }
0x28: {  	s0 =	rddreg [dreg:$0x7]  }
0x29: {  	[tilespmem:s0], [sflag:$0x1] =	stream.indirect_vreg.gather [hbm4b:s6+s3], $0x80, v4, vm0, $0xb8;
	[tilespmem:$0x10080] =	vst v63  }
0x2a: {  	s10 =	rddreg [dreg:$0x8]  }
0x2b: {  	[tilespmem:s10], [sflag:$0x1] =	stream.indirect_vreg.gather [hbm4b:s2+s3], $0x80, v3, vm0, $0xb8;
	[tilespmem:$0x10080] =	vst v63  }
0x2c: {  	s0 =	rddreg [dreg:$0x9]  }
0x2d: {  	[tilespmem:s0], [sflag:$0x1] =	stream.indirect_vreg.gather [hbm4b:s4+s3], $0x80, v3, vm0, $0xb8;
	[tilespmem:$0x10080] =	vst v63  }
0x2e: {  	s10 =	rddreg [dreg:$0xa]  }
0x2f: {  	[tilespmem:s10], [sflag:$0x1] =	stream.indirect_vreg.gather [hbm4b:s5+s3], $0x80, v3, vm0, $0xb8;
	[tilespmem:$0x10080] =	vst v63  }
0x30: {  	s0 =	rddreg [dreg:$0xb]  }
0x31: {  	[tilespmem:s0], [sflag:$0x1] =	stream.indirect_vreg.gather [hbm4b:s6+s3], $0x80, v3, vm0, $0xb8;
	[tilespmem:$0x10080] =	vst v63  }
0x32: {  	v3 =	vld [tilespmem:$0x10];
	_ =	sdelay $0x4  }
0x33: {  	v61 =	vshll.u32 v3, $0x3  }
0x34: {  	v3 =	vand.u32 $0x7, v3;
	v4 =	vand.u32 $0xFFFFFFC0, v61  }
0x35: {  	v3 =	vor.u32 v3, v4  }
0x36: {  	v4 =	vperm.xlane v3, v0;
	_ =	sdelay $0x1  }
0x37: {  	v4 =	vadd.s32 v1, v4;
	_ =	sdelay $0x3  }
0x38: {  	s0 =	rddreg [dreg:$0xc]  }
0x39: {  	[tilespmem:s0], [sflag:$0x1] =	stream.indirect_vreg.gather [hbm4b:s2+s3], $0x80, v4, vm0, $0xb8;
	[tilespmem:$0x10080] =	vst v63  }
0x3a: {  	s10 =	rddreg [dreg:$0xd];
	v3 =	vperm.xlane v3, v2  }
0x3b: {  	[tilespmem:s10], [sflag:$0x1] =	stream.indirect_vreg.gather [hbm4b:s4+s3], $0x80, v4, vm0, $0xb8;
	[tilespmem:$0x10080] =	vst v63  }
0x3c: {  	v3 =	vadd.s32 v1, v3;
	s0 =	rddreg [dreg:$0xe]  }
0x3d: {  	[tilespmem:s0], [sflag:$0x1] =	stream.indirect_vreg.gather [hbm4b:s5+s3], $0x80, v4, vm0, $0xb8;
	[tilespmem:$0x10080] =	vst v63  }
0x3e: {  	s10 =	simm.s32 $0x5880  }
0x3f: {  	[tilespmem:s10], [sflag:$0x1] =	stream.indirect_vreg.gather [hbm4b:s6+s3], $0x80, v4, vm0, $0xb8;
	[tilespmem:$0x10080] =	vst v63  }
0x40: {  	_ = 	snop  }
0x41: {  	[tilespmem:s11], [sflag:$0x1] =	stream.indirect_vreg.gather [hbm4b:s2+s3], $0x80, v3, vm0, $0xb8;
	[tilespmem:$0x10080] =	vst v63  }
0x42: {  	_ = 	snop  }
0x43: {  	[tilespmem:s12], [sflag:$0x1] =	stream.indirect_vreg.gather [hbm4b:s4+s3], $0x80, v3, vm0, $0xb8;
	[tilespmem:$0x10080] =	vst v63  }
0x44: {  	_ = 	snop  }
0x45: {  	[tilespmem:s13], [sflag:$0x1] =	stream.indirect_vreg.gather [hbm4b:s5+s3], $0x80, v3, vm0, $0xb8;
	[tilespmem:$0x10080] =	vst v63  }
0x46: {  	_ = 	snop  }
0x47: {  	[tilespmem:s14], [sflag:$0x1] =	stream.indirect_vreg.gather [hbm4b:s6+s3], $0x80, v3, vm0, $0xb8;
	[tilespmem:$0x10080] =	vst v63  }
0x48: {  	v3 =	vld [tilespmem:$0x20];
	_ =	sdelay $0x4  }
0x49: {  	v62 =	vshll.u32 v3, $0x3  }
0x4a: {  	v3 =	vand.u32 $0x7, v3;
	v4 =	vand.u32 $0xFFFFFFC0, v62  }
0x4b: {  	v3 =	vor.u32 v3, v4  }
0x4c: {  	v4 =	vperm.xlane v3, v0;
	_ =	sdelay $0x1  }
0x4d: {  	v4 =	vadd.s32 v1, v4;
	_ =	sdelay $0x4  }
0x4e: {  	[tilespmem:s15], [sflag:$0x1] =	stream.indirect_vreg.gather [hbm4b:s2+s3], $0x80, v4, vm0, $0xb8;
	[tilespmem:$0x10080] =	vst v63  }
0x4f: {  	v3 =	vperm.xlane v3, v2  }
0x50: {  	[tilespmem:s16], [sflag:$0x1] =	stream.indirect_vreg.gather [hbm4b:s4+s3], $0x80, v4, vm0, $0xb8;
	[tilespmem:$0x10080] =	vst v63  }
0x51: {  	v3 =	vadd.s32 v1, v3  }
0x52: {  	[tilespmem:s17], [sflag:$0x1] =	stream.indirect_vreg.gather [hbm4b:s5+s3], $0x80, v4, vm0, $0xb8;
	[tilespmem:$0x10080] =	vst v63  }
0x53: {  	_ = 	snop  }
0x54: {  	[tilespmem:s18], [sflag:$0x1] =	stream.indirect_vreg.gather [hbm4b:s6+s3], $0x80, v4, vm0, $0xb8;
	[tilespmem:$0x10080] =	vst v63  }
0x55: {  	_ = 	snop  }
0x56: {  	[tilespmem:s19], [sflag:$0x1] =	stream.indirect_vreg.gather [hbm4b:s2+s3], $0x80, v3, vm0, $0xb8;
	[tilespmem:$0x10080] =	vst v63  }
0x57: {  	_ = 	snop  }
0x58: {  	[tilespmem:s20], [sflag:$0x1] =	stream.indirect_vreg.gather [hbm4b:s4+s3], $0x80, v3, vm0, $0xb8;
	[tilespmem:$0x10080] =	vst v63  }
0x59: {  	_ = 	snop  }
0x5a: {  	[tilespmem:s21], [sflag:$0x1] =	stream.indirect_vreg.gather [hbm4b:s5+s3], $0x80, v3, vm0, $0xb8;
	[tilespmem:$0x10080] =	vst v63  }
0x5b: {  	_ = 	snop  }
0x5c: {  	[tilespmem:s22], [sflag:$0x1] =	stream.indirect_vreg.gather [hbm4b:s6+s3], $0x80, v3, vm0, $0xb8;
	[tilespmem:$0x10080] =	vst v63  }
0x5d: {  	v3 =	vld [tilespmem:$0x30];
	_ =	sdelay $0x4  }
0x5e: {  	v63 =	vshll.u32 v3, $0x3  }
0x5f: {  	v3 =	vand.u32 $0x7, v3;
	v4 =	vand.u32 $0xFFFFFFC0, v63  }
0x60: {  	v3 =	vor.u32 v3, v4  }
0x61: {  	v4 =	vperm.xlane v3, v0;
	_ =	sdelay $0x1  }
0x62: {  	v4 =	vadd.s32 v1, v4;
	_ =	sdelay $0x4  }
0x63: {  	[tilespmem:s23], [sflag:$0x1] =	stream.indirect_vreg.gather [hbm4b:s2+s3], $0x80, v4, vm0, $0xb8;
	[tilespmem:$0x10080] =	vst v63  }
0x64: {  	v3 =	vperm.xlane v3, v2  }
0x65: {  	[tilespmem:s24], [sflag:$0x1] =	stream.indirect_vreg.gather [hbm4b:s4+s3], $0x80, v4, vm0, $0xb8;
	[tilespmem:$0x10080] =	vst v63  }
0x66: {  	v3 =	vadd.s32 v1, v3  }
0x67: {  	[tilespmem:s25], [sflag:$0x1] =	stream.indirect_vreg.gather [hbm4b:s5+s3], $0x80, v4, vm0, $0xb8;
	[tilespmem:$0x10080] =	vst v63  }
0x68: {  	_ = 	snop  }
0x69: {  	[tilespmem:s26], [sflag:$0x1] =	stream.indirect_vreg.gather [hbm4b:s6+s3], $0x80, v4, vm0, $0xb8;
	[tilespmem:$0x10080] =	vst v63  }
0x6a: {  	_ = 	snop  }
0x6b: {  	[tilespmem:s28], [sflag:$0x1] =	stream.indirect_vreg.gather [hbm4b:s2+s3], $0x80, v3, vm0, $0xb8;
	[tilespmem:$0x10080] =	vst v63  }
0x6c: {  	_ = 	snop  }
0x6d: {  	[tilespmem:s29], [sflag:$0x1] =	stream.indirect_vreg.gather [hbm4b:s4+s3], $0x80, v3, vm0, $0xb8;
	[tilespmem:$0x10080] =	vst v63  }
0x6e: {  	_ = 	snop  }
0x6f: {  	[tilespmem:s30], [sflag:$0x1] =	stream.indirect_vreg.gather [hbm4b:s5+s3], $0x80, v3, vm0, $0xb8;
	[tilespmem:$0x10080] =	vst v63  }
0x70: {  	_ = 	snop  }
0x71: {  	[tilespmem:s31], [sflag:$0x1] =	stream.indirect_vreg.gather [hbm4b:s6+s3], $0x80, v3, vm0, $0xb8;
	[tilespmem:$0x10080] =	vst v63  }
0x72: {  	_ =	swait.ge [sflag:s1], $0x10000  }
0x73: {  	p0 =	sne.s32 s7, $0x1;
	[sflag:s1] =	ssyncset.done $0x0  }
.Ltmp0:
0x74: {  	s10 =	rddreg [dreg:$0x4];
	[sflag:s1] =	ssyncadd.s32 $0xFFFF0000;
	(pc) =	sbr.rel @p0 .LBB2_1-.Ltmp0, $4  }
0x75: {  	[hbm4b:s10+s3] =	stream.linear.scatter [tilespmem:s9], [sflag:$0x2], $0x10000, $0x38;
	[tilespmem:$0x10080] =	vst v63  }
0x76: {  	_ =	swait.ge [sflag:s8], $0x10000  }
0x77: {  	[sflag:s8] =	ssyncset.done $0x0  }
0x78: {  	s7 =	sadd.s32 $0xFFFFFFFF, s7;
	[sflag:s8] =	ssyncadd.s32 $0xFFFF0000  }
0x79: {  	_ =	sfence.sel $0x180000  }
0x7a: {  	[bflag:$0x0] =	sbarrier.arrive $0xFFFF  }
0x7b: {  	_ =	strace $0x9000004A  }
0x7c: {  	s0 =	stileid.u32;
	[bflag:$0x2] =	sbarrier.arrive $0xFFFF  }
0x7d: {  	p0 =	sne.s32 s0, $0x0;
	s0 =	rddreg [dreg:$0x2]  }
0x7e: {  	s0 =	sadd.s32 @!p0 $0x100000, s0  }
0x7f: {  	[sflag:s0] =	ssyncadd.tile.s32 @!p0 $0x1;
	_ =	shalt  }
.Lfunc_end2:
_tile_overlayer_lowered:
.L_overlay_start_2:
0x80: {  	(tag) =	ssettag $0x2  }
0x81: {  	s0 =	rddreg [dreg:$0x0];
	s2 =	stileid.u32  }
0x82: {  	s1 =	rddreg [dreg:$0x1];
	p0 =	sne.s32 s2, $0x0  }
0x83: {  	s3 =	rddreg [dreg:$0x2];
	[bflag:$0x3] =	sbarrier.arrive $0xFFFF;
	s2 =	simm.s32 @!p0 $0x1C02  }
0x84: {  	[timem:s3], [sflag:s2] =	dma.local @!p0 [hbm:s0], s1  }
0x85: {  	s0 =	simm.s32 @!p0 $0x2  }
0x86: {  	_ =	swait.ge @!p0 [sflag:s0], s1  }
0x87: {  	s1 =	ssub.s32 @!p0 $0x0, s1;
	[sflag:s0] =	ssyncset.done @!p0 $0x0  }
0x88: {  	[sflag:s0] =	ssyncadd.s32 @!p0 s1  }
0x89: {  	[bflag:$0x3] =	sbarrier.arrive $0xFFFF  }
0x8a: {  	_ =	shalt  }

</sc_bundles>
